<compile_context>
chip_gen: v7x
topology: tpu7x:2x2x1
jax: 0.10.2.dev20260603
libtpu: 0.0.44.dev20260713+nightly
codegen_flags: <defaults>
</compile_context>

<pallas_src>
import functools

import jax
import jax.numpy as jnp
from jax import lax
from jax.experimental import pallas as pl
from jax.experimental.pallas import tpu as pltpu
from jax.experimental.pallas import tpu_sc as plsc

_B = 16384
_D = 64
_V = 100001
_L = 16

_info = plsc.get_sparse_core_info()
_NC = _info.num_cores
_NS = _info.num_subcores
_NW = _NC * _NS
_DPW = _D // _NW
_OC = 4096
_NOC = _B // _OC
_UNROLL = 4


def _gather_body(idx_hbm, tab_t_hbm, out_t_hbm,
                 idx_v, row_v, out_v, rsem, isem, osem):
    wid = lax.axis_index("s") * _NC + lax.axis_index("c")
    d0 = wid * _DPW

    def row_cp(d):
        return pltpu.make_async_copy(tab_t_hbm.at[d], row_v, rsem)

    def out_cp(d, k):
        return pltpu.make_async_copy(
            out_v.at[k % 2], out_t_hbm.at[d, pl.ds(k * _OC, _OC)], osem)

    row_cp(d0).start()
    icp = pltpu.make_async_copy(idx_hbm, idx_v, isem)
    icp.start()
    icp.wait()
    row_cp(d0).wait()

    for fd in range(_DPW):
        d = d0 + fd
        for k in range(_NOC):
            buf = k % 2
            if k >= 2:
                out_cp(d, k - 2).wait()

            def gbody(j, _):
                for u in range(_UNROLL):
                    o = (j * _UNROLL + u) * _L
                    out_v[buf, pl.ds(o, _L)] = plsc.load_gather(
                        row_v, [idx_v[pl.ds(k * _OC + o, _L)] + 1])
                return _

            lax.fori_loop(0, _OC // (_L * _UNROLL), gbody, 0)
            out_cp(d, k).start()
        if fd + 1 < _DPW:
            row_cp(d + 1).start()
        for k in (_NOC - 2, _NOC - 1):
            out_cp(d, k).wait()
        if fd + 1 < _DPW:
            row_cp(d + 1).wait()


@jax.jit
def kernel(style_idx, embeddings):
    mesh = plsc.VectorSubcoreMesh(core_axis_name="c", subcore_axis_name="s")
    f = functools.partial(
        pl.kernel,
        mesh=mesh,
        out_type=jax.ShapeDtypeStruct((_D, _B), jnp.float32),
        compiler_params=pltpu.CompilerParams(
            needs_layout_passes=False, skip_device_barrier=True),
        scratch_types=[
            pltpu.VMEM((_B,), jnp.int32),
            pltpu.VMEM((_V,), jnp.float32),
            pltpu.VMEM((2, _OC), jnp.float32),
            pltpu.SemaphoreType.DMA,
            pltpu.SemaphoreType.DMA,
            pltpu.SemaphoreType.DMA,
        ],
    )(_gather_body)
    out_t = f(style_idx, embeddings.T)
    return out_t.T

# --- scband reference (transcript-rebuilt; emitter-appended) ---
"""Pipeline reference for scband-conditional-style-embedding-59631325938475 (READ-ONLY COPY).

The authoritative reference and input builder live on the scoring server;
editing this copy changes nothing except your own understanding.
"""

import jax, jax.numpy as jnp
import numpy as np

NUM_STYLES = 100000
EMBED_DIM = 64
BATCH = 16384

def setup_inputs(seed: int = 0) -> dict:
    key = jax.random.key(seed)
    k_idx, k_emb = jax.random.split(key)
    style_idx = jax.random.randint(k_idx, (BATCH,), 0, NUM_STYLES, dtype=jnp.int64 if jax.config.jax_enable_x64 else jnp.int32)
    embeddings = jax.random.normal(k_emb, (NUM_STYLES + 1, EMBED_DIM), dtype=jnp.float32) * 0.02
    embeddings = embeddings.at[0].set(0.0)
    return {"style_idx": style_idx, "embeddings": embeddings}

def reference(style_idx, embeddings):
    # Eval mode: drop_style defaults to self.training == False, so no dropout masking.
    shifted = style_idx + 1
    return jnp.take(embeddings, shifted, axis=0)

if __name__ == "__main__":
    import jax
    _d = setup_inputs()
    print(jax.jit(kernel)(*tuple(_d.values())))

</pallas_src>

<mosaic_0001>
#map = affine_map<(d0, d1) -> (0)>
#map1 = affine_map<(d0, d1) -> (0, 0)>
module attributes {stable_mosaic.version = 14 : i64} {
  func.func @_gather_body(%arg0: i32, %arg1: i32, %arg2: memref<16384xi32, #tpu.memory_space<hbm>>, %arg3: memref<64x100001xf32, #tpu.memory_space<hbm>>, %arg4: memref<64x16384xf32, #tpu.memory_space<hbm>>, %arg5: memref<16384xi32, #tpu.memory_space<vmem>>, %arg6: memref<100001xf32, #tpu.memory_space<vmem>>, %arg7: memref<2x4096xf32, #tpu.memory_space<vmem>>, %arg8: memref<!tpu.dma_semaphore, #tpu.memory_space<semaphore_mem>>, %arg9: memref<!tpu.dma_semaphore, #tpu.memory_space<semaphore_mem>>, %arg10: memref<!tpu.dma_semaphore, #tpu.memory_space<semaphore_mem>>) attributes {dimension_semantics = [#tpu.dimension_semantics<core_parallel>, #tpu.dimension_semantics<subcore_parallel>], iteration_bounds = array<i64: 2, 16>, scalar_prefetch = 0 : i64, scratch_operands = 6 : i64, tpu.core_type = #tpu.core_type<sc_vector_subcore>, window_params = [{transform_indices = #map}, {transform_indices = #map1}, {transform_indices = #map1}]} {
    %mul3A = arith.constant 2 : i32
    %mul3A_0 = arith.muli %arg1, %mul3A : i32
    %add3A = arith.addi %mul3A_0, %arg0 : i32
    %mul3A_1 = arith.constant 2 : i32
    %mul3A_2 = arith.muli %add3A, %mul3A_1 : i32
    %dma_start3A = arith.constant 0 : i32
    %dma_start3A_3 = tpu.memref_slice %arg3[%mul3A_2, %dma_start3A] : memref<64x100001xf32, #tpu.memory_space<hbm>> -> memref<1x100001xf32, #tpu.memory_space<hbm>>
    %dma_start3A_4 = tpu.memref_squeeze %dma_start3A_3 : memref<1x100001xf32, #tpu.memory_space<hbm>> -> memref<100001xf32, #tpu.memory_space<hbm>>
    %dma_start3A_5 = arith.constant 0 : i32
    %dma_start3A_6 = tpu.memref_slice %arg3[%mul3A_2, %dma_start3A_5] : memref<64x100001xf32, #tpu.memory_space<hbm>> -> memref<1x100001xf32, #tpu.memory_space<hbm>>
    %dma_start3A_7 = tpu.memref_squeeze %dma_start3A_6 : memref<1x100001xf32, #tpu.memory_space<hbm>> -> memref<100001xf32, #tpu.memory_space<hbm>>
    tpu.enqueue_dma source(%dma_start3A_7 : memref<100001xf32, #tpu.memory_space<hbm>>) target(%arg6 : memref<100001xf32, #tpu.memory_space<vmem>>) target_semaphore(%arg8 : memref<!tpu.dma_semaphore, #tpu.memory_space<semaphore_mem>>)
    tpu.enqueue_dma source(%arg2 : memref<16384xi32, #tpu.memory_space<hbm>>) target(%arg5 : memref<16384xi32, #tpu.memory_space<vmem>>) target_semaphore(%arg9 : memref<!tpu.dma_semaphore, #tpu.memory_space<semaphore_mem>>)
    tpu.wait_dma2 semaphore(%arg9 : memref<!tpu.dma_semaphore, #tpu.memory_space<semaphore_mem>>) src(%arg2 : memref<16384xi32, #tpu.memory_space<hbm>>) dst(%arg5 : memref<16384xi32, #tpu.memory_space<vmem>>)
    %dma_wait3A = arith.constant 0 : i32
    %dma_wait3A_8 = tpu.memref_slice %arg3[%mul3A_2, %dma_wait3A] : memref<64x100001xf32, #tpu.memory_space<hbm>> -> memref<1x100001xf32, #tpu.memory_space<hbm>>
    %dma_wait3A_9 = tpu.memref_squeeze %dma_wait3A_8 : memref<1x100001xf32, #tpu.memory_space<hbm>> -> memref<100001xf32, #tpu.memory_space<hbm>>
    %dma_wait3A_10 = arith.constant 0 : i32
    %dma_wait3A_11 = tpu.memref_slice %arg3[%mul3A_2, %dma_wait3A_10] : memref<64x100001xf32, #tpu.memory_space<hbm>> -> memref<1x100001xf32, #tpu.memory_space<hbm>>
    %dma_wait3A_12 = tpu.memref_squeeze %dma_wait3A_11 : memref<1x100001xf32, #tpu.memory_space<hbm>> -> memref<100001xf32, #tpu.memory_space<hbm>>
    tpu.wait_dma2 semaphore(%arg8 : memref<!tpu.dma_semaphore, #tpu.memory_space<semaphore_mem>>) src(%dma_wait3A_12 : memref<100001xf32, #tpu.memory_space<hbm>>) dst(%arg6 : memref<100001xf32, #tpu.memory_space<vmem>>)
    %add3A_13 = arith.constant 0 : i32
    %add3A_14 = arith.addi %mul3A_2, %add3A_13 : i32
    %scan3A = arith.constant 0 : i32
    %scan3A_15 = arith.constant 0 : i32
    %scan3A_16 = arith.constant 64 : i32
    %scan3A_17 = arith.addi %scan3A_15, %scan3A_16 : i32
    %scan3A_18 = arith.constant 1 : i32
    scf.for %scan3A_288 = %scan3A_15 to %scan3A_17 step %scan3A_18  : i32 {
      %mul3A_289 = arith.constant 4 : i32
      %mul3A_290 = arith.muli %scan3A_288, %mul3A_289 : i32
      %add3A_291 = arith.constant 0 : i32
      %add3A_292 = arith.addi %mul3A_290, %add3A_291 : i32
      %mul3A_293 = arith.constant 16 : i32
      %mul3A_294 = arith.muli %add3A_292, %mul3A_293 : i32
      %add3A_295 = arith.constant 0 : i32
      %add3A_296 = arith.addi %add3A_295, %mul3A_294 : i32
      %get3A = arith.index_cast %add3A_296 : i32 to index
      %get3A_297 = tpu.vector_load %arg5[%get3A] {strides = array<i32>} : memref<16384xi32, #tpu.memory_space<vmem>>, vector<16xi32>,
      %add3A_298 = arith.constant 1 : i32
      %add3A_299 = vector.broadcast %add3A_298 : i32 to vector<16xi32>
      %add3A_300 = arith.addi %get3A_297, %add3A_299 : vector<16xi32>
      %gather3A = tpu.vector_load_idx %arg6[%add3A_300] : memref<100001xf32, #tpu.memory_space<vmem>>[vector<16xi32>], vector<16xf32>,
      %swap3A = arith.constant 0 : i32
      %swap3A_301 = arith.index_cast %swap3A : i32 to index
      %swap3A_302 = arith.index_cast %mul3A_294 : i32 to index
      %swap3A_303 = tpu.vector_load %arg7[%swap3A_301, %swap3A_302] {strides = array<i32>} : memref<2x4096xf32, #tpu.memory_space<vmem>>, vector<16xf32>,
      tpu.vector_store %arg7[%swap3A_301, %swap3A_302], %gather3A {strides = array<i32>} : memref<2x4096xf32, #tpu.memory_space<vmem>>, vector<16xf32>,
      %mul3A_304 = arith.constant 4 : i32
      %mul3A_305 = arith.muli %scan3A_288, %mul3A_304 : i32
      %add3A_306 = arith.constant 1 : i32
      %add3A_307 = arith.addi %mul3A_305, %add3A_306 : i32
      %mul3A_308 = arith.constant 16 : i32
      %mul3A_309 = arith.muli %add3A_307, %mul3A_308 : i32
      %add3A_310 = arith.constant 0 : i32
      %add3A_311 = arith.addi %add3A_310, %mul3A_309 : i32
      %get3A_312 = arith.index_cast %add3A_311 : i32 to index
      %get3A_313 = tpu.vector_load %arg5[%get3A_312] {strides = array<i32>} : memref<16384xi32, #tpu.memory_space<vmem>>, vector<16xi32>,
      %add3A_314 = arith.constant 1 : i32
      %add3A_315 = vector.broadcast %add3A_314 : i32 to vector<16xi32>
      %add3A_316 = arith.addi %get3A_313, %add3A_315 : vector<16xi32>
      %gather3A_317 = tpu.vector_load_idx %arg6[%add3A_316] : memref<100001xf32, #tpu.memory_space<vmem>>[vector<16xi32>], vector<16xf32>,
      %swap3A_318 = arith.constant 0 : i32
      %swap3A_319 = arith.index_cast %swap3A_318 : i32 to index
      %swap3A_320 = arith.index_cast %mul3A_309 : i32 to index
      %swap3A_321 = tpu.vector_load %arg7[%swap3A_319, %swap3A_320] {strides = array<i32>} : memref<2x4096xf32, #tpu.memory_space<vmem>>, vector<16xf32>,
      tpu.vector_store %arg7[%swap3A_319, %swap3A_320], %gather3A_317 {strides = array<i32>} : memref<2x4096xf32, #tpu.memory_space<vmem>>, vector<16xf32>,
      %mul3A_322 = arith.constant 4 : i32
      %mul3A_323 = arith.muli %scan3A_288, %mul3A_322 : i32
      %add3A_324 = arith.constant 2 : i32
      %add3A_325 = arith.addi %mul3A_323, %add3A_324 : i32
      %mul3A_326 = arith.constant 16 : i32
      %mul3A_327 = arith.muli %add3A_325, %mul3A_326 : i32
      %add3A_328 = arith.constant 0 : i32
      %add3A_329 = arith.addi %add3A_328, %mul3A_327 : i32
      %get3A_330 = arith.index_cast %add3A_329 : i32 to index
      %get3A_331 = tpu.vector_load %arg5[%get3A_330] {strides = array<i32>} : memref<16384xi32, #tpu.memory_space<vmem>>, vector<16xi32>,
      %add3A_332 = arith.constant 1 : i32
      %add3A_333 = vector.broadcast %add3A_332 : i32 to vector<16xi32>
      %add3A_334 = arith.addi %get3A_331, %add3A_333 : vector<16xi32>
      %gather3A_335 = tpu.vector_load_idx %arg6[%add3A_334] : memref<100001xf32, #tpu.memory_space<vmem>>[vector<16xi32>], vector<16xf32>,
      %swap3A_336 = arith.constant 0 : i32
      %swap3A_337 = arith.index_cast %swap3A_336 : i32 to index
      %swap3A_338 = arith.index_cast %mul3A_327 : i32 to index
      %swap3A_339 = tpu.vector_load %arg7[%swap3A_337, %swap3A_338] {strides = array<i32>} : memref<2x4096xf32, #tpu.memory_space<vmem>>, vector<16xf32>,
      tpu.vector_store %arg7[%swap3A_337, %swap3A_338], %gather3A_335 {strides = array<i32>} : memref<2x4096xf32, #tpu.memory_space<vmem>>, vector<16xf32>,
      %mul3A_340 = arith.constant 4 : i32
      %mul3A_341 = arith.muli %scan3A_288, %mul3A_340 : i32
      %add3A_342 = arith.constant 3 : i32
      %add3A_343 = arith.addi %mul3A_341, %add3A_342 : i32
      %mul3A_344 = arith.constant 16 : i32
      %mul3A_345 = arith.muli %add3A_343, %mul3A_344 : i32
      %add3A_346 = arith.constant 0 : i32
      %add3A_347 = arith.addi %add3A_346, %mul3A_345 : i32
      %get3A_348 = arith.index_cast %add3A_347 : i32 to index
      %get3A_349 = tpu.vector_load %arg5[%get3A_348] {strides = array<i32>} : memref<16384xi32, #tpu.memory_space<vmem>>, vector<16xi32>,
      %add3A_350 = arith.constant 1 : i32
      %add3A_351 = vector.broadcast %add3A_350 : i32 to vector<16xi32>
      %add3A_352 = arith.addi %get3A_349, %add3A_351 : vector<16xi32>
      %gather3A_353 = tpu.vector_load_idx %arg6[%add3A_352] : memref<100001xf32, #tpu.memory_space<vmem>>[vector<16xi32>], vector<16xf32>,
      %swap3A_354 = arith.constant 0 : i32
      %swap3A_355 = arith.index_cast %swap3A_354 : i32 to index
      %swap3A_356 = arith.index_cast %mul3A_345 : i32 to index
      %swap3A_357 = tpu.vector_load %arg7[%swap3A_355, %swap3A_356] {strides = array<i32>} : memref<2x4096xf32, #tpu.memory_space<vmem>>, vector<16xf32>,
      tpu.vector_store %arg7[%swap3A_355, %swap3A_356], %gather3A_353 {strides = array<i32>} : memref<2x4096xf32, #tpu.memory_space<vmem>>, vector<16xf32>,
    }
    %scan3A_19 = arith.constant 64 : i32
    %dma_start3A_20 = arith.constant 0 : i32
    %dma_start3A_21 = arith.constant 0 : i32
    %dma_start3A_22 = tpu.memref_slice %arg7[%dma_start3A_20, %dma_start3A_21] : memref<2x4096xf32, #tpu.memory_space<vmem>> -> memref<1x4096xf32, #tpu.memory_space<vmem>>
    %dma_start3A_23 = tpu.memref_squeeze %dma_start3A_22 : memref<1x4096xf32, #tpu.memory_space<vmem>> -> memref<4096xf32, #tpu.memory_space<vmem>>
    %dma_start3A_24 = arith.constant 0 : i32
    %dma_start3A_25 = tpu.memref_slice %arg4[%add3A_14, %dma_start3A_24] : memref<64x16384xf32, #tpu.memory_space<hbm>> -> memref<1x4096xf32, #tpu.memory_space<hbm>>
    %dma_start3A_26 = tpu.memref_squeeze %dma_start3A_25 : memref<1x4096xf32, #tpu.memory_space<hbm>> -> memref<4096xf32, #tpu.memory_space<hbm>>
    %dma_start3A_27 = arith.constant 0 : i32
    %dma_start3A_28 = tpu.memref_slice %arg4[%add3A_14, %dma_start3A_27] : memref<64x16384xf32, #tpu.memory_space<hbm>> -> memref<1x4096xf32, #tpu.memory_space<hbm>>
    %dma_start3A_29 = tpu.memref_squeeze %dma_start3A_28 : memref<1x4096xf32, #tpu.memory_space<hbm>> -> memref<4096xf32, #tpu.memory_space<hbm>>
    %dma_start3A_30 = arith.constant 0 : i32
    %dma_start3A_31 = tpu.memref_slice %arg7[%dma_start3A_20, %dma_start3A_30] : memref<2x4096xf32, #tpu.memory_space<vmem>> -> memref<1x4096xf32, #tpu.memory_space<vmem>>
    %dma_start3A_32 = tpu.memref_squeeze %dma_start3A_31 : memref<1x4096xf32, #tpu.memory_space<vmem>> -> memref<4096xf32, #tpu.memory_space<vmem>>
    tpu.enqueue_dma source(%dma_start3A_32 : memref<4096xf32, #tpu.memory_space<vmem>>) target(%dma_start3A_29 : memref<4096xf32, #tpu.memory_space<hbm>>) target_semaphore(%arg10 : memref<!tpu.dma_semaphore, #tpu.memory_space<semaphore_mem>>)
    %scan3A_33 = arith.constant 0 : i32
    %scan3A_34 = arith.constant 0 : i32
    %scan3A_35 = arith.constant 64 : i32
    %scan3A_36 = arith.addi %scan3A_34, %scan3A_35 : i32
    %scan3A_37 = arith.constant 1 : i32
    scf.for %scan3A_288 = %scan3A_34 to %scan3A_36 step %scan3A_37  : i32 {
      %mul3A_289 = arith.constant 4 : i32
      %mul3A_290 = arith.muli %scan3A_288, %mul3A_289 : i32
      %add3A_291 = arith.constant 0 : i32
      %add3A_292 = arith.addi %mul3A_290, %add3A_291 : i32
      %mul3A_293 = arith.constant 16 : i32
      %mul3A_294 = arith.muli %add3A_292, %mul3A_293 : i32
      %add3A_295 = arith.constant 4096 : i32
      %add3A_296 = arith.addi %add3A_295, %mul3A_294 : i32
      %get3A = arith.index_cast %add3A_296 : i32 to index
      %get3A_297 = tpu.vector_load %arg5[%get3A] {strides = array<i32>} : memref<16384xi32, #tpu.memory_space<vmem>>, vector<16xi32>,
      %add3A_298 = arith.constant 1 : i32
      %add3A_299 = vector.broadcast %add3A_298 : i32 to vector<16xi32>
      %add3A_300 = arith.addi %get3A_297, %add3A_299 : vector<16xi32>
      %gather3A = tpu.vector_load_idx %arg6[%add3A_300] : memref<100001xf32, #tpu.memory_space<vmem>>[vector<16xi32>], vector<16xf32>,
      %swap3A = arith.constant 1 : i32
      %swap3A_301 = arith.index_cast %swap3A : i32 to index
      %swap3A_302 = arith.index_cast %mul3A_294 : i32 to index
      %swap3A_303 = tpu.vector_load %arg7[%swap3A_301, %swap3A_302] {strides = array<i32>} : memref<2x4096xf32, #tpu.memory_space<vmem>>, vector<16xf32>,
      tpu.vector_store %arg7[%swap3A_301, %swap3A_302], %gather3A {strides = array<i32>} : memref<2x4096xf32, #tpu.memory_space<vmem>>, vector<16xf32>,
      %mul3A_304 = arith.constant 4 : i32
      %mul3A_305 = arith.muli %scan3A_288, %mul3A_304 : i32
      %add3A_306 = arith.constant 1 : i32
      %add3A_307 = arith.addi %mul3A_305, %add3A_306 : i32
      %mul3A_308 = arith.constant 16 : i32
      %mul3A_309 = arith.muli %add3A_307, %mul3A_308 : i32
      %add3A_310 = arith.constant 4096 : i32
      %add3A_311 = arith.addi %add3A_310, %mul3A_309 : i32
      %get3A_312 = arith.index_cast %add3A_311 : i32 to index
      %get3A_313 = tpu.vector_load %arg5[%get3A_312] {strides = array<i32>} : memref<16384xi32, #tpu.memory_space<vmem>>, vector<16xi32>,
      %add3A_314 = arith.constant 1 : i32
      %add3A_315 = vector.broadcast %add3A_314 : i32 to vector<16xi32>
      %add3A_316 = arith.addi %get3A_313, %add3A_315 : vector<16xi32>
      %gather3A_317 = tpu.vector_load_idx %arg6[%add3A_316] : memref<100001xf32, #tpu.memory_space<vmem>>[vector<16xi32>], vector<16xf32>,
      %swap3A_318 = arith.constant 1 : i32
      %swap3A_319 = arith.index_cast %swap3A_318 : i32 to index
      %swap3A_320 = arith.index_cast %mul3A_309 : i32 to index
      %swap3A_321 = tpu.vector_load %arg7[%swap3A_319, %swap3A_320] {strides = array<i32>} : memref<2x4096xf32, #tpu.memory_space<vmem>>, vector<16xf32>,
      tpu.vector_store %arg7[%swap3A_319, %swap3A_320], %gather3A_317 {strides = array<i32>} : memref<2x4096xf32, #tpu.memory_space<vmem>>, vector<16xf32>,
      %mul3A_322 = arith.constant 4 : i32
      %mul3A_323 = arith.muli %scan3A_288, %mul3A_322 : i32
      %add3A_324 = arith.constant 2 : i32
      %add3A_325 = arith.addi %mul3A_323, %add3A_324 : i32
      %mul3A_326 = arith.constant 16 : i32
      %mul3A_327 = arith.muli %add3A_325, %mul3A_326 : i32
      %add3A_328 = arith.constant 4096 : i32
      %add3A_329 = arith.addi %add3A_328, %mul3A_327 : i32
      %get3A_330 = arith.index_cast %add3A_329 : i32 to index
      %get3A_331 = tpu.vector_load %arg5[%get3A_330] {strides = array<i32>} : memref<16384xi32, #tpu.memory_space<vmem>>, vector<16xi32>,
      %add3A_332 = arith.constant 1 : i32
      %add3A_333 = vector.broadcast %add3A_332 : i32 to vector<16xi32>
      %add3A_334 = arith.addi %get3A_331, %add3A_333 : vector<16xi32>
      %gather3A_335 = tpu.vector_load_idx %arg6[%add3A_334] : memref<100001xf32, #tpu.memory_space<vmem>>[vector<16xi32>], vector<16xf32>,
      %swap3A_336 = arith.constant 1 : i32
      %swap3A_337 = arith.index_cast %swap3A_336 : i32 to index
      %swap3A_338 = arith.index_cast %mul3A_327 : i32 to index
      %swap3A_339 = tpu.vector_load %arg7[%swap3A_337, %swap3A_338] {strides = array<i32>} : memref<2x4096xf32, #tpu.memory_space<vmem>>, vector<16xf32>,
      tpu.vector_store %arg7[%swap3A_337, %swap3A_338], %gather3A_335 {strides = array<i32>} : memref<2x4096xf32, #tpu.memory_space<vmem>>, vector<16xf32>,
      %mul3A_340 = arith.constant 4 : i32
      %mul3A_341 = arith.muli %scan3A_288, %mul3A_340 : i32
      %add3A_342 = arith.constant 3 : i32
      %add3A_343 = arith.addi %mul3A_341, %add3A_342 : i32
      %mul3A_344 = arith.constant 16 : i32
      %mul3A_345 = arith.muli %add3A_343, %mul3A_344 : i32
      %add3A_346 = arith.constant 4096 : i32
      %add3A_347 = arith.addi %add3A_346, %mul3A_345 : i32
      %get3A_348 = arith.index_cast %add3A_347 : i32 to index
      %get3A_349 = tpu.vector_load %arg5[%get3A_348] {strides = array<i32>} : memref<16384xi32, #tpu.memory_space<vmem>>, vector<16xi32>,
      %add3A_350 = arith.constant 1 : i32
      %add3A_351 = vector.broadcast %add3A_350 : i32 to vector<16xi32>
      %add3A_352 = arith.addi %get3A_349, %add3A_351 : vector<16xi32>
      %gather3A_353 = tpu.vector_load_idx %arg6[%add3A_352] : memref<100001xf32, #tpu.memory_space<vmem>>[vector<16xi32>], vector<16xf32>,
      %swap3A_354 = arith.constant 1 : i32
      %swap3A_355 = arith.index_cast %swap3A_354 : i32 to index
      %swap3A_356 = arith.index_cast %mul3A_345 : i32 to index
      %swap3A_357 = tpu.vector_load %arg7[%swap3A_355, %swap3A_356] {strides = array<i32>} : memref<2x4096xf32, #tpu.memory_space<vmem>>, vector<16xf32>,
      tpu.vector_store %arg7[%swap3A_355, %swap3A_356], %gather3A_353 {strides = array<i32>} : memref<2x4096xf32, #tpu.memory_space<vmem>>, vector<16xf32>,
    }
    %scan3A_38 = arith.constant 64 : i32
    %dma_start3A_39 = arith.constant 1 : i32
    %dma_start3A_40 = arith.constant 0 : i32
    %dma_start3A_41 = tpu.memref_slice %arg7[%dma_start3A_39, %dma_start3A_40] : memref<2x4096xf32, #tpu.memory_space<vmem>> -> memref<1x4096xf32, #tpu.memory_space<vmem>>
    %dma_start3A_42 = tpu.memref_squeeze %dma_start3A_41 : memref<1x4096xf32, #tpu.memory_space<vmem>> -> memref<4096xf32, #tpu.memory_space<vmem>>
    %dma_start3A_43 = arith.constant 4096 : i32
    %dma_start3A_44 = tpu.memref_slice %arg4[%add3A_14, %dma_start3A_43] : memref<64x16384xf32, #tpu.memory_space<hbm>> -> memref<1x4096xf32, #tpu.memory_space<hbm>>
    %dma_start3A_45 = tpu.memref_squeeze %dma_start3A_44 : memref<1x4096xf32, #tpu.memory_space<hbm>> -> memref<4096xf32, #tpu.memory_space<hbm>>
    %dma_start3A_46 = arith.constant 4096 : i32
    %dma_start3A_47 = tpu.memref_slice %arg4[%add3A_14, %dma_start3A_46] : memref<64x16384xf32, #tpu.memory_space<hbm>> -> memref<1x4096xf32, #tpu.memory_space<hbm>>
    %dma_start3A_48 = tpu.memref_squeeze %dma_start3A_47 : memref<1x4096xf32, #tpu.memory_space<hbm>> -> memref<4096xf32, #tpu.memory_space<hbm>>
    %dma_start3A_49 = arith.constant 0 : i32
    %dma_start3A_50 = tpu.memref_slice %arg7[%dma_start3A_39, %dma_start3A_49] : memref<2x4096xf32, #tpu.memory_space<vmem>> -> memref<1x4096xf32, #tpu.memory_space<vmem>>
    %dma_start3A_51 = tpu.memref_squeeze %dma_start3A_50 : memref<1x4096xf32, #tpu.memory_space<vmem>> -> memref<4096xf32, #tpu.memory_space<vmem>>
    tpu.enqueue_dma source(%dma_start3A_51 : memref<4096xf32, #tpu.memory_space<vmem>>) target(%dma_start3A_48 : memref<4096xf32, #tpu.memory_space<hbm>>) target_semaphore(%arg10 : memref<!tpu.dma_semaphore, #tpu.memory_space<semaphore_mem>>)
    %dma_wait3A_52 = arith.constant 0 : i32
    %dma_wait3A_53 = arith.constant 0 : i32
    %dma_wait3A_54 = tpu.memref_slice %arg7[%dma_wait3A_52, %dma_wait3A_53] : memref<2x4096xf32, #tpu.memory_space<vmem>> -> memref<1x4096xf32, #tpu.memory_space<vmem>>
    %dma_wait3A_55 = tpu.memref_squeeze %dma_wait3A_54 : memref<1x4096xf32, #tpu.memory_space<vmem>> -> memref<4096xf32, #tpu.memory_space<vmem>>
    %dma_wait3A_56 = arith.constant 0 : i32
    %dma_wait3A_57 = tpu.memref_slice %arg4[%add3A_14, %dma_wait3A_56] : memref<64x16384xf32, #tpu.memory_space<hbm>> -> memref<1x4096xf32, #tpu.memory_space<hbm>>
    %dma_wait3A_58 = tpu.memref_squeeze %dma_wait3A_57 : memref<1x4096xf32, #tpu.memory_space<hbm>> -> memref<4096xf32, #tpu.memory_space<hbm>>
    %dma_wait3A_59 = arith.constant 0 : i32
    %dma_wait3A_60 = tpu.memref_slice %arg4[%add3A_14, %dma_wait3A_59] : memref<64x16384xf32, #tpu.memory_space<hbm>> -> memref<1x4096xf32, #tpu.memory_space<hbm>>
    %dma_wait3A_61 = tpu.memref_squeeze %dma_wait3A_60 : memref<1x4096xf32, #tpu.memory_space<hbm>> -> memref<4096xf32, #tpu.memory_space<hbm>>
    %dma_wait3A_62 = arith.constant 0 : i32
    %dma_wait3A_63 = tpu.memref_slice %arg7[%dma_wait3A_52, %dma_wait3A_62] : memref<2x4096xf32, #tpu.memory_space<vmem>> -> memref<1x4096xf32, #tpu.memory_space<vmem>>
    %dma_wait3A_64 = tpu.memref_squeeze %dma_wait3A_63 : memref<1x4096xf32, #tpu.memory_space<vmem>> -> memref<4096xf32, #tpu.memory_space<vmem>>
    tpu.wait_dma2 semaphore(%arg10 : memref<!tpu.dma_semaphore, #tpu.memory_space<semaphore_mem>>) src(%dma_wait3A_64 : memref<4096xf32, #tpu.memory_space<vmem>>) dst(%dma_wait3A_61 : memref<4096xf32, #tpu.memory_space<hbm>>)
    %scan3A_65 = arith.constant 0 : i32
    %scan3A_66 = arith.constant 0 : i32
    %scan3A_67 = arith.constant 64 : i32
    %scan3A_68 = arith.addi %scan3A_66, %scan3A_67 : i32
    %scan3A_69 = arith.constant 1 : i32
    scf.for %scan3A_288 = %scan3A_66 to %scan3A_68 step %scan3A_69  : i32 {
      %mul3A_289 = arith.constant 4 : i32
      %mul3A_290 = arith.muli %scan3A_288, %mul3A_289 : i32
      %add3A_291 = arith.constant 0 : i32
      %add3A_292 = arith.addi %mul3A_290, %add3A_291 : i32
      %mul3A_293 = arith.constant 16 : i32
      %mul3A_294 = arith.muli %add3A_292, %mul3A_293 : i32
      %add3A_295 = arith.constant 8192 : i32
      %add3A_296 = arith.addi %add3A_295, %mul3A_294 : i32
      %get3A = arith.index_cast %add3A_296 : i32 to index
      %get3A_297 = tpu.vector_load %arg5[%get3A] {strides = array<i32>} : memref<16384xi32, #tpu.memory_space<vmem>>, vector<16xi32>,
      %add3A_298 = arith.constant 1 : i32
      %add3A_299 = vector.broadcast %add3A_298 : i32 to vector<16xi32>
      %add3A_300 = arith.addi %get3A_297, %add3A_299 : vector<16xi32>
      %gather3A = tpu.vector_load_idx %arg6[%add3A_300] : memref<100001xf32, #tpu.memory_space<vmem>>[vector<16xi32>], vector<16xf32>,
      %swap3A = arith.constant 0 : i32
      %swap3A_301 = arith.index_cast %swap3A : i32 to index
      %swap3A_302 = arith.index_cast %mul3A_294 : i32 to index
      %swap3A_303 = tpu.vector_load %arg7[%swap3A_301, %swap3A_302] {strides = array<i32>} : memref<2x4096xf32, #tpu.memory_space<vmem>>, vector<16xf32>,
      tpu.vector_store %arg7[%swap3A_301, %swap3A_302], %gather3A {strides = array<i32>} : memref<2x4096xf32, #tpu.memory_space<vmem>>, vector<16xf32>,
      %mul3A_304 = arith.constant 4 : i32
      %mul3A_305 = arith.muli %scan3A_288, %mul3A_304 : i32
      %add3A_306 = arith.constant 1 : i32
      %add3A_307 = arith.addi %mul3A_305, %add3A_306 : i32
      %mul3A_308 = arith.constant 16 : i32
      %mul3A_309 = arith.muli %add3A_307, %mul3A_308 : i32
      %add3A_310 = arith.constant 8192 : i32
      %add3A_311 = arith.addi %add3A_310, %mul3A_309 : i32
      %get3A_312 = arith.index_cast %add3A_311 : i32 to index
      %get3A_313 = tpu.vector_load %arg5[%get3A_312] {strides = array<i32>} : memref<16384xi32, #tpu.memory_space<vmem>>, vector<16xi32>,
      %add3A_314 = arith.constant 1 : i32
      %add3A_315 = vector.broadcast %add3A_314 : i32 to vector<16xi32>
      %add3A_316 = arith.addi %get3A_313, %add3A_315 : vector<16xi32>
      %gather3A_317 = tpu.vector_load_idx %arg6[%add3A_316] : memref<100001xf32, #tpu.memory_space<vmem>>[vector<16xi32>], vector<16xf32>,
      %swap3A_318 = arith.constant 0 : i32
      %swap3A_319 = arith.index_cast %swap3A_318 : i32 to index
      %swap3A_320 = arith.index_cast %mul3A_309 : i32 to index
      %swap3A_321 = tpu.vector_load %arg7[%swap3A_319, %swap3A_320] {strides = array<i32>} : memref<2x4096xf32, #tpu.memory_space<vmem>>, vector<16xf32>,
      tpu.vector_store %arg7[%swap3A_319, %swap3A_320], %gather3A_317 {strides = array<i32>} : memref<2x4096xf32, #tpu.memory_space<vmem>>, vector<16xf32>,
      %mul3A_322 = arith.constant 4 : i32
      %mul3A_323 = arith.muli %scan3A_288, %mul3A_322 : i32
      %add3A_324 = arith.constant 2 : i32
      %add3A_325 = arith.addi %mul3A_323, %add3A_324 : i32
      %mul3A_326 = arith.constant 16 : i32
      %mul3A_327 = arith.muli %add3A_325, %mul3A_326 : i32
      %add3A_328 = arith.constant 8192 : i32
      %add3A_329 = arith.addi %add3A_328, %mul3A_327 : i32
      %get3A_330 = arith.index_cast %add3A_329 : i32 to index
      %get3A_331 = tpu.vector_load %arg5[%get3A_330] {strides = array<i32>} : memref<16384xi32, #tpu.memory_space<vmem>>, vector<16xi32>,
      %add3A_332 = arith.constant 1 : i32
      %add3A_333 = vector.broadcast %add3A_332 : i32 to vector<16xi32>
      %add3A_334 = arith.addi %get3A_331, %add3A_333 : vector<16xi32>
      %gather3A_335 = tpu.vector_load_idx %arg6[%add3A_334] : memref<100001xf32, #tpu.memory_space<vmem>>[vector<16xi32>], vector<16xf32>,
      %swap3A_336 = arith.constant 0 : i32
      %swap3A_337 = arith.index_cast %swap3A_336 : i32 to index
      %swap3A_338 = arith.index_cast %mul3A_327 : i32 to index
      %swap3A_339 = tpu.vector_load %arg7[%swap3A_337, %swap3A_338] {strides = array<i32>} : memref<2x4096xf32, #tpu.memory_space<vmem>>, vector<16xf32>,
      tpu.vector_store %arg7[%swap3A_337, %swap3A_338], %gather3A_335 {strides = array<i32>} : memref<2x4096xf32, #tpu.memory_space<vmem>>, vector<16xf32>,
      %mul3A_340 = arith.constant 4 : i32
      %mul3A_341 = arith.muli %scan3A_288, %mul3A_340 : i32
      %add3A_342 = arith.constant 3 : i32
      %add3A_343 = arith.addi %mul3A_341, %add3A_342 : i32
      %mul3A_344 = arith.constant 16 : i32
      %mul3A_345 = arith.muli %add3A_343, %mul3A_344 : i32
      %add3A_346 = arith.constant 8192 : i32
      %add3A_347 = arith.addi %add3A_346, %mul3A_345 : i32
      %get3A_348 = arith.index_cast %add3A_347 : i32 to index
      %get3A_349 = tpu.vector_load %arg5[%get3A_348] {strides = array<i32>} : memref<16384xi32, #tpu.memory_space<vmem>>, vector<16xi32>,
      %add3A_350 = arith.constant 1 : i32
      %add3A_351 = vector.broadcast %add3A_350 : i32 to vector<16xi32>
      %add3A_352 = arith.addi %get3A_349, %add3A_351 : vector<16xi32>
      %gather3A_353 = tpu.vector_load_idx %arg6[%add3A_352] : memref<100001xf32, #tpu.memory_space<vmem>>[vector<16xi32>], vector<16xf32>,
      %swap3A_354 = arith.constant 0 : i32
      %swap3A_355 = arith.index_cast %swap3A_354 : i32 to index
      %swap3A_356 = arith.index_cast %mul3A_345 : i32 to index
      %swap3A_357 = tpu.vector_load %arg7[%swap3A_355, %swap3A_356] {strides = array<i32>} : memref<2x4096xf32, #tpu.memory_space<vmem>>, vector<16xf32>,
      tpu.vector_store %arg7[%swap3A_355, %swap3A_356], %gather3A_353 {strides = array<i32>} : memref<2x4096xf32, #tpu.memory_space<vmem>>, vector<16xf32>,
    }
    %scan3A_70 = arith.constant 64 : i32
    %dma_start3A_71 = arith.constant 0 : i32
    %dma_start3A_72 = arith.constant 0 : i32
    %dma_start3A_73 = tpu.memref_slice %arg7[%dma_start3A_71, %dma_start3A_72] : memref<2x4096xf32, #tpu.memory_space<vmem>> -> memref<1x4096xf32, #tpu.memory_space<vmem>>
    %dma_start3A_74 = tpu.memref_squeeze %dma_start3A_73 : memref<1x4096xf32, #tpu.memory_space<vmem>> -> memref<4096xf32, #tpu.memory_space<vmem>>
    %dma_start3A_75 = arith.constant 8192 : i32
    %dma_start3A_76 = tpu.memref_slice %arg4[%add3A_14, %dma_start3A_75] : memref<64x16384xf32, #tpu.memory_space<hbm>> -> memref<1x4096xf32, #tpu.memory_space<hbm>>
    %dma_start3A_77 = tpu.memref_squeeze %dma_start3A_76 : memref<1x4096xf32, #tpu.memory_space<hbm>> -> memref<4096xf32, #tpu.memory_space<hbm>>
    %dma_start3A_78 = arith.constant 8192 : i32
    %dma_start3A_79 = tpu.memref_slice %arg4[%add3A_14, %dma_start3A_78] : memref<64x16384xf32, #tpu.memory_space<hbm>> -> memref<1x4096xf32, #tpu.memory_space<hbm>>
    %dma_start3A_80 = tpu.memref_squeeze %dma_start3A_79 : memref<1x4096xf32, #tpu.memory_space<hbm>> -> memref<4096xf32, #tpu.memory_space<hbm>>
    %dma_start3A_81 = arith.constant 0 : i32
    %dma_start3A_82 = tpu.memref_slice %arg7[%dma_start3A_71, %dma_start3A_81] : memref<2x4096xf32, #tpu.memory_space<vmem>> -> memref<1x4096xf32, #tpu.memory_space<vmem>>
    %dma_start3A_83 = tpu.memref_squeeze %dma_start3A_82 : memref<1x4096xf32, #tpu.memory_space<vmem>> -> memref<4096xf32, #tpu.memory_space<vmem>>
    tpu.enqueue_dma source(%dma_start3A_83 : memref<4096xf32, #tpu.memory_space<vmem>>) target(%dma_start3A_80 : memref<4096xf32, #tpu.memory_space<hbm>>) target_semaphore(%arg10 : memref<!tpu.dma_semaphore, #tpu.memory_space<semaphore_mem>>)
    %dma_wait3A_84 = arith.constant 1 : i32
    %dma_wait3A_85 = arith.constant 0 : i32
    %dma_wait3A_86 = tpu.memref_slice %arg7[%dma_wait3A_84, %dma_wait3A_85] : memref<2x4096xf32, #tpu.memory_space<vmem>> -> memref<1x4096xf32, #tpu.memory_space<vmem>>
    %dma_wait3A_87 = tpu.memref_squeeze %dma_wait3A_86 : memref<1x4096xf32, #tpu.memory_space<vmem>> -> memref<4096xf32, #tpu.memory_space<vmem>>
    %dma_wait3A_88 = arith.constant 4096 : i32
    %dma_wait3A_89 = tpu.memref_slice %arg4[%add3A_14, %dma_wait3A_88] : memref<64x16384xf32, #tpu.memory_space<hbm>> -> memref<1x4096xf32, #tpu.memory_space<hbm>>
    %dma_wait3A_90 = tpu.memref_squeeze %dma_wait3A_89 : memref<1x4096xf32, #tpu.memory_space<hbm>> -> memref<4096xf32, #tpu.memory_space<hbm>>
    %dma_wait3A_91 = arith.constant 4096 : i32
    %dma_wait3A_92 = tpu.memref_slice %arg4[%add3A_14, %dma_wait3A_91] : memref<64x16384xf32, #tpu.memory_space<hbm>> -> memref<1x4096xf32, #tpu.memory_space<hbm>>
    %dma_wait3A_93 = tpu.memref_squeeze %dma_wait3A_92 : memref<1x4096xf32, #tpu.memory_space<hbm>> -> memref<4096xf32, #tpu.memory_space<hbm>>
    %dma_wait3A_94 = arith.constant 0 : i32
    %dma_wait3A_95 = tpu.memref_slice %arg7[%dma_wait3A_84, %dma_wait3A_94] : memref<2x4096xf32, #tpu.memory_space<vmem>> -> memref<1x4096xf32, #tpu.memory_space<vmem>>
    %dma_wait3A_96 = tpu.memref_squeeze %dma_wait3A_95 : memref<1x4096xf32, #tpu.memory_space<vmem>> -> memref<4096xf32, #tpu.memory_space<vmem>>
    tpu.wait_dma2 semaphore(%arg10 : memref<!tpu.dma_semaphore, #tpu.memory_space<semaphore_mem>>) src(%dma_wait3A_96 : memref<4096xf32, #tpu.memory_space<vmem>>) dst(%dma_wait3A_93 : memref<4096xf32, #tpu.memory_space<hbm>>)
    %scan3A_97 = arith.constant 0 : i32
    %scan3A_98 = arith.constant 0 : i32
    %scan3A_99 = arith.constant 64 : i32
    %scan3A_100 = arith.addi %scan3A_98, %scan3A_99 : i32
    %scan3A_101 = arith.constant 1 : i32
    scf.for %scan3A_288 = %scan3A_98 to %scan3A_100 step %scan3A_101  : i32 {
      %mul3A_289 = arith.constant 4 : i32
      %mul3A_290 = arith.muli %scan3A_288, %mul3A_289 : i32
      %add3A_291 = arith.constant 0 : i32
      %add3A_292 = arith.addi %mul3A_290, %add3A_291 : i32
      %mul3A_293 = arith.constant 16 : i32
      %mul3A_294 = arith.muli %add3A_292, %mul3A_293 : i32
      %add3A_295 = arith.constant 12288 : i32
      %add3A_296 = arith.addi %add3A_295, %mul3A_294 : i32
      %get3A = arith.index_cast %add3A_296 : i32 to index
      %get3A_297 = tpu.vector_load %arg5[%get3A] {strides = array<i32>} : memref<16384xi32, #tpu.memory_space<vmem>>, vector<16xi32>,
      %add3A_298 = arith.constant 1 : i32
      %add3A_299 = vector.broadcast %add3A_298 : i32 to vector<16xi32>
      %add3A_300 = arith.addi %get3A_297, %add3A_299 : vector<16xi32>
      %gather3A = tpu.vector_load_idx %arg6[%add3A_300] : memref<100001xf32, #tpu.memory_space<vmem>>[vector<16xi32>], vector<16xf32>,
      %swap3A = arith.constant 1 : i32
      %swap3A_301 = arith.index_cast %swap3A : i32 to index
      %swap3A_302 = arith.index_cast %mul3A_294 : i32 to index
      %swap3A_303 = tpu.vector_load %arg7[%swap3A_301, %swap3A_302] {strides = array<i32>} : memref<2x4096xf32, #tpu.memory_space<vmem>>, vector<16xf32>,
      tpu.vector_store %arg7[%swap3A_301, %swap3A_302], %gather3A {strides = array<i32>} : memref<2x4096xf32, #tpu.memory_space<vmem>>, vector<16xf32>,
      %mul3A_304 = arith.constant 4 : i32
      %mul3A_305 = arith.muli %scan3A_288, %mul3A_304 : i32
      %add3A_306 = arith.constant 1 : i32
      %add3A_307 = arith.addi %mul3A_305, %add3A_306 : i32
      %mul3A_308 = arith.constant 16 : i32
      %mul3A_309 = arith.muli %add3A_307, %mul3A_308 : i32
      %add3A_310 = arith.constant 12288 : i32
      %add3A_311 = arith.addi %add3A_310, %mul3A_309 : i32
      %get3A_312 = arith.index_cast %add3A_311 : i32 to index
      %get3A_313 = tpu.vector_load %arg5[%get3A_312] {strides = array<i32>} : memref<16384xi32, #tpu.memory_space<vmem>>, vector<16xi32>,
      %add3A_314 = arith.constant 1 : i32
      %add3A_315 = vector.broadcast %add3A_314 : i32 to vector<16xi32>
      %add3A_316 = arith.addi %get3A_313, %add3A_315 : vector<16xi32>
      %gather3A_317 = tpu.vector_load_idx %arg6[%add3A_316] : memref<100001xf32, #tpu.memory_space<vmem>>[vector<16xi32>], vector<16xf32>,
      %swap3A_318 = arith.constant 1 : i32
      %swap3A_319 = arith.index_cast %swap3A_318 : i32 to index
      %swap3A_320 = arith.index_cast %mul3A_309 : i32 to index
      %swap3A_321 = tpu.vector_load %arg7[%swap3A_319, %swap3A_320] {strides = array<i32>} : memref<2x4096xf32, #tpu.memory_space<vmem>>, vector<16xf32>,
      tpu.vector_store %arg7[%swap3A_319, %swap3A_320], %gather3A_317 {strides = array<i32>} : memref<2x4096xf32, #tpu.memory_space<vmem>>, vector<16xf32>,
      %mul3A_322 = arith.constant 4 : i32
      %mul3A_323 = arith.muli %scan3A_288, %mul3A_322 : i32
      %add3A_324 = arith.constant 2 : i32
      %add3A_325 = arith.addi %mul3A_323, %add3A_324 : i32
      %mul3A_326 = arith.constant 16 : i32
      %mul3A_327 = arith.muli %add3A_325, %mul3A_326 : i32
      %add3A_328 = arith.constant 12288 : i32
      %add3A_329 = arith.addi %add3A_328, %mul3A_327 : i32
      %get3A_330 = arith.index_cast %add3A_329 : i32 to index
      %get3A_331 = tpu.vector_load %arg5[%get3A_330] {strides = array<i32>} : memref<16384xi32, #tpu.memory_space<vmem>>, vector<16xi32>,
      %add3A_332 = arith.constant 1 : i32
      %add3A_333 = vector.broadcast %add3A_332 : i32 to vector<16xi32>
      %add3A_334 = arith.addi %get3A_331, %add3A_333 : vector<16xi32>
      %gather3A_335 = tpu.vector_load_idx %arg6[%add3A_334] : memref<100001xf32, #tpu.memory_space<vmem>>[vector<16xi32>], vector<16xf32>,
      %swap3A_336 = arith.constant 1 : i32
      %swap3A_337 = arith.index_cast %swap3A_336 : i32 to index
      %swap3A_338 = arith.index_cast %mul3A_327 : i32 to index
      %swap3A_339 = tpu.vector_load %arg7[%swap3A_337, %swap3A_338] {strides = array<i32>} : memref<2x4096xf32, #tpu.memory_space<vmem>>, vector<16xf32>,
      tpu.vector_store %arg7[%swap3A_337, %swap3A_338], %gather3A_335 {strides = array<i32>} : memref<2x4096xf32, #tpu.memory_space<vmem>>, vector<16xf32>,
      %mul3A_340 = arith.constant 4 : i32
      %mul3A_341 = arith.muli %scan3A_288, %mul3A_340 : i32
      %add3A_342 = arith.constant 3 : i32
      %add3A_343 = arith.addi %mul3A_341, %add3A_342 : i32
      %mul3A_344 = arith.constant 16 : i32
      %mul3A_345 = arith.muli %add3A_343, %mul3A_344 : i32
      %add3A_346 = arith.constant 12288 : i32
      %add3A_347 = arith.addi %add3A_346, %mul3A_345 : i32
      %get3A_348 = arith.index_cast %add3A_347 : i32 to index
      %get3A_349 = tpu.vector_load %arg5[%get3A_348] {strides = array<i32>} : memref<16384xi32, #tpu.memory_space<vmem>>, vector<16xi32>,
      %add3A_350 = arith.constant 1 : i32
      %add3A_351 = vector.broadcast %add3A_350 : i32 to vector<16xi32>
      %add3A_352 = arith.addi %get3A_349, %add3A_351 : vector<16xi32>
      %gather3A_353 = tpu.vector_load_idx %arg6[%add3A_352] : memref<100001xf32, #tpu.memory_space<vmem>>[vector<16xi32>], vector<16xf32>,
      %swap3A_354 = arith.constant 1 : i32
      %swap3A_355 = arith.index_cast %swap3A_354 : i32 to index
      %swap3A_356 = arith.index_cast %mul3A_345 : i32 to index
      %swap3A_357 = tpu.vector_load %arg7[%swap3A_355, %swap3A_356] {strides = array<i32>} : memref<2x4096xf32, #tpu.memory_space<vmem>>, vector<16xf32>,
      tpu.vector_store %arg7[%swap3A_355, %swap3A_356], %gather3A_353 {strides = array<i32>} : memref<2x4096xf32, #tpu.memory_space<vmem>>, vector<16xf32>,
    }
    %scan3A_102 = arith.constant 64 : i32
    %dma_start3A_103 = arith.constant 1 : i32
    %dma_start3A_104 = arith.constant 0 : i32
    %dma_start3A_105 = tpu.memref_slice %arg7[%dma_start3A_103, %dma_start3A_104] : memref<2x4096xf32, #tpu.memory_space<vmem>> -> memref<1x4096xf32, #tpu.memory_space<vmem>>
    %dma_start3A_106 = tpu.memref_squeeze %dma_start3A_105 : memref<1x4096xf32, #tpu.memory_space<vmem>> -> memref<4096xf32, #tpu.memory_space<vmem>>
    %dma_start3A_107 = arith.constant 12288 : i32
    %dma_start3A_108 = tpu.memref_slice %arg4[%add3A_14, %dma_start3A_107] : memref<64x16384xf32, #tpu.memory_space<hbm>> -> memref<1x4096xf32, #tpu.memory_space<hbm>>
    %dma_start3A_109 = tpu.memref_squeeze %dma_start3A_108 : memref<1x4096xf32, #tpu.memory_space<hbm>> -> memref<4096xf32, #tpu.memory_space<hbm>>
    %dma_start3A_110 = arith.constant 12288 : i32
    %dma_start3A_111 = tpu.memref_slice %arg4[%add3A_14, %dma_start3A_110] : memref<64x16384xf32, #tpu.memory_space<hbm>> -> memref<1x4096xf32, #tpu.memory_space<hbm>>
    %dma_start3A_112 = tpu.memref_squeeze %dma_start3A_111 : memref<1x4096xf32, #tpu.memory_space<hbm>> -> memref<4096xf32, #tpu.memory_space<hbm>>
    %dma_start3A_113 = arith.constant 0 : i32
    %dma_start3A_114 = tpu.memref_slice %arg7[%dma_start3A_103, %dma_start3A_113] : memref<2x4096xf32, #tpu.memory_space<vmem>> -> memref<1x4096xf32, #tpu.memory_space<vmem>>
    %dma_start3A_115 = tpu.memref_squeeze %dma_start3A_114 : memref<1x4096xf32, #tpu.memory_space<vmem>> -> memref<4096xf32, #tpu.memory_space<vmem>>
    tpu.enqueue_dma source(%dma_start3A_115 : memref<4096xf32, #tpu.memory_space<vmem>>) target(%dma_start3A_112 : memref<4096xf32, #tpu.memory_space<hbm>>) target_semaphore(%arg10 : memref<!tpu.dma_semaphore, #tpu.memory_space<semaphore_mem>>)
    %add3A_116 = arith.constant 1 : i32
    %add3A_117 = arith.addi %add3A_14, %add3A_116 : i32
    %dma_start3A_118 = arith.constant 0 : i32
    %dma_start3A_119 = tpu.memref_slice %arg3[%add3A_117, %dma_start3A_118] : memref<64x100001xf32, #tpu.memory_space<hbm>> -> memref<1x100001xf32, #tpu.memory_space<hbm>>
    %dma_start3A_120 = tpu.memref_squeeze %dma_start3A_119 : memref<1x100001xf32, #tpu.memory_space<hbm>> -> memref<100001xf32, #tpu.memory_space<hbm>>
    %dma_start3A_121 = arith.constant 0 : i32
    %dma_start3A_122 = tpu.memref_slice %arg3[%add3A_117, %dma_start3A_121] : memref<64x100001xf32, #tpu.memory_space<hbm>> -> memref<1x100001xf32, #tpu.memory_space<hbm>>
    %dma_start3A_123 = tpu.memref_squeeze %dma_start3A_122 : memref<1x100001xf32, #tpu.memory_space<hbm>> -> memref<100001xf32, #tpu.memory_space<hbm>>
    tpu.enqueue_dma source(%dma_start3A_123 : memref<100001xf32, #tpu.memory_space<hbm>>) target(%arg6 : memref<100001xf32, #tpu.memory_space<vmem>>) target_semaphore(%arg8 : memref<!tpu.dma_semaphore, #tpu.memory_space<semaphore_mem>>)
    %dma_wait3A_124 = arith.constant 0 : i32
    %dma_wait3A_125 = arith.constant 0 : i32
    %dma_wait3A_126 = tpu.memref_slice %arg7[%dma_wait3A_124, %dma_wait3A_125] : memref<2x4096xf32, #tpu.memory_space<vmem>> -> memref<1x4096xf32, #tpu.memory_space<vmem>>
    %dma_wait3A_127 = tpu.memref_squeeze %dma_wait3A_126 : memref<1x4096xf32, #tpu.memory_space<vmem>> -> memref<4096xf32, #tpu.memory_space<vmem>>
    %dma_wait3A_128 = arith.constant 8192 : i32
    %dma_wait3A_129 = tpu.memref_slice %arg4[%add3A_14, %dma_wait3A_128] : memref<64x16384xf32, #tpu.memory_space<hbm>> -> memref<1x4096xf32, #tpu.memory_space<hbm>>
    %dma_wait3A_130 = tpu.memref_squeeze %dma_wait3A_129 : memref<1x4096xf32, #tpu.memory_space<hbm>> -> memref<4096xf32, #tpu.memory_space<hbm>>
    %dma_wait3A_131 = arith.constant 8192 : i32
    %dma_wait3A_132 = tpu.memref_slice %arg4[%add3A_14, %dma_wait3A_131] : memref<64x16384xf32, #tpu.memory_space<hbm>> -> memref<1x4096xf32, #tpu.memory_space<hbm>>
    %dma_wait3A_133 = tpu.memref_squeeze %dma_wait3A_132 : memref<1x4096xf32, #tpu.memory_space<hbm>> -> memref<4096xf32, #tpu.memory_space<hbm>>
    %dma_wait3A_134 = arith.constant 0 : i32
    %dma_wait3A_135 = tpu.memref_slice %arg7[%dma_wait3A_124, %dma_wait3A_134] : memref<2x4096xf32, #tpu.memory_space<vmem>> -> memref<1x4096xf32, #tpu.memory_space<vmem>>
    %dma_wait3A_136 = tpu.memref_squeeze %dma_wait3A_135 : memref<1x4096xf32, #tpu.memory_space<vmem>> -> memref<4096xf32, #tpu.memory_space<vmem>>
    tpu.wait_dma2 semaphore(%arg10 : memref<!tpu.dma_semaphore, #tpu.memory_space<semaphore_mem>>) src(%dma_wait3A_136 : memref<4096xf32, #tpu.memory_space<vmem>>) dst(%dma_wait3A_133 : memref<4096xf32, #tpu.memory_space<hbm>>)
    %dma_wait3A_137 = arith.constant 1 : i32
    %dma_wait3A_138 = arith.constant 0 : i32
    %dma_wait3A_139 = tpu.memref_slice %arg7[%dma_wait3A_137, %dma_wait3A_138] : memref<2x4096xf32, #tpu.memory_space<vmem>> -> memref<1x4096xf32, #tpu.memory_space<vmem>>
    %dma_wait3A_140 = tpu.memref_squeeze %dma_wait3A_139 : memref<1x4096xf32, #tpu.memory_space<vmem>> -> memref<4096xf32, #tpu.memory_space<vmem>>
    %dma_wait3A_141 = arith.constant 12288 : i32
    %dma_wait3A_142 = tpu.memref_slice %arg4[%add3A_14, %dma_wait3A_141] : memref<64x16384xf32, #tpu.memory_space<hbm>> -> memref<1x4096xf32, #tpu.memory_space<hbm>>
    %dma_wait3A_143 = tpu.memref_squeeze %dma_wait3A_142 : memref<1x4096xf32, #tpu.memory_space<hbm>> -> memref<4096xf32, #tpu.memory_space<hbm>>
    %dma_wait3A_144 = arith.constant 12288 : i32
    %dma_wait3A_145 = tpu.memref_slice %arg4[%add3A_14, %dma_wait3A_144] : memref<64x16384xf32, #tpu.memory_space<hbm>> -> memref<1x4096xf32, #tpu.memory_space<hbm>>
    %dma_wait3A_146 = tpu.memref_squeeze %dma_wait3A_145 : memref<1x4096xf32, #tpu.memory_space<hbm>> -> memref<4096xf32, #tpu.memory_space<hbm>>
    %dma_wait3A_147 = arith.constant 0 : i32
    %dma_wait3A_148 = tpu.memref_slice %arg7[%dma_wait3A_137, %dma_wait3A_147] : memref<2x4096xf32, #tpu.memory_space<vmem>> -> memref<1x4096xf32, #tpu.memory_space<vmem>>
    %dma_wait3A_149 = tpu.memref_squeeze %dma_wait3A_148 : memref<1x4096xf32, #tpu.memory_space<vmem>> -> memref<4096xf32, #tpu.memory_space<vmem>>
    tpu.wait_dma2 semaphore(%arg10 : memref<!tpu.dma_semaphore, #tpu.memory_space<semaphore_mem>>) src(%dma_wait3A_149 : memref<4096xf32, #tpu.memory_space<vmem>>) dst(%dma_wait3A_146 : memref<4096xf32, #tpu.memory_space<hbm>>)
    %add3A_150 = arith.constant 1 : i32
    %add3A_151 = arith.addi %add3A_14, %add3A_150 : i32
    %dma_wait3A_152 = arith.constant 0 : i32
    %dma_wait3A_153 = tpu.memref_slice %arg3[%add3A_151, %dma_wait3A_152] : memref<64x100001xf32, #tpu.memory_space<hbm>> -> memref<1x100001xf32, #tpu.memory_space<hbm>>
    %dma_wait3A_154 = tpu.memref_squeeze %dma_wait3A_153 : memref<1x100001xf32, #tpu.memory_space<hbm>> -> memref<100001xf32, #tpu.memory_space<hbm>>
    %dma_wait3A_155 = arith.constant 0 : i32
    %dma_wait3A_156 = tpu.memref_slice %arg3[%add3A_151, %dma_wait3A_155] : memref<64x100001xf32, #tpu.memory_space<hbm>> -> memref<1x100001xf32, #tpu.memory_space<hbm>>
    %dma_wait3A_157 = tpu.memref_squeeze %dma_wait3A_156 : memref<1x100001xf32, #tpu.memory_space<hbm>> -> memref<100001xf32, #tpu.memory_space<hbm>>
    tpu.wait_dma2 semaphore(%arg8 : memref<!tpu.dma_semaphore, #tpu.memory_space<semaphore_mem>>) src(%dma_wait3A_157 : memref<100001xf32, #tpu.memory_space<hbm>>) dst(%arg6 : memref<100001xf32, #tpu.memory_space<vmem>>)
    %add3A_158 = arith.constant 1 : i32
    %add3A_159 = arith.addi %mul3A_2, %add3A_158 : i32
    %scan3A_160 = arith.constant 0 : i32
    %scan3A_161 = arith.constant 0 : i32
    %scan3A_162 = arith.constant 64 : i32
    %scan3A_163 = arith.addi %scan3A_161, %scan3A_162 : i32
    %scan3A_164 = arith.constant 1 : i32
    scf.for %scan3A_288 = %scan3A_161 to %scan3A_163 step %scan3A_164  : i32 {
      %mul3A_289 = arith.constant 4 : i32
      %mul3A_290 = arith.muli %scan3A_288, %mul3A_289 : i32
      %add3A_291 = arith.constant 0 : i32
      %add3A_292 = arith.addi %mul3A_290, %add3A_291 : i32
      %mul3A_293 = arith.constant 16 : i32
      %mul3A_294 = arith.muli %add3A_292, %mul3A_293 : i32
      %add3A_295 = arith.constant 0 : i32
      %add3A_296 = arith.addi %add3A_295, %mul3A_294 : i32
      %get3A = arith.index_cast %add3A_296 : i32 to index
      %get3A_297 = tpu.vector_load %arg5[%get3A] {strides = array<i32>} : memref<16384xi32, #tpu.memory_space<vmem>>, vector<16xi32>,
      %add3A_298 = arith.constant 1 : i32
      %add3A_299 = vector.broadcast %add3A_298 : i32 to vector<16xi32>
      %add3A_300 = arith.addi %get3A_297, %add3A_299 : vector<16xi32>
      %gather3A = tpu.vector_load_idx %arg6[%add3A_300] : memref<100001xf32, #tpu.memory_space<vmem>>[vector<16xi32>], vector<16xf32>,
      %swap3A = arith.constant 0 : i32
      %swap3A_301 = arith.index_cast %swap3A : i32 to index
      %swap3A_302 = arith.index_cast %mul3A_294 : i32 to index
      %swap3A_303 = tpu.vector_load %arg7[%swap3A_301, %swap3A_302] {strides = array<i32>} : memref<2x4096xf32, #tpu.memory_space<vmem>>, vector<16xf32>,
      tpu.vector_store %arg7[%swap3A_301, %swap3A_302], %gather3A {strides = array<i32>} : memref<2x4096xf32, #tpu.memory_space<vmem>>, vector<16xf32>,
      %mul3A_304 = arith.constant 4 : i32
      %mul3A_305 = arith.muli %scan3A_288, %mul3A_304 : i32
      %add3A_306 = arith.constant 1 : i32
      %add3A_307 = arith.addi %mul3A_305, %add3A_306 : i32
      %mul3A_308 = arith.constant 16 : i32
      %mul3A_309 = arith.muli %add3A_307, %mul3A_308 : i32
      %add3A_310 = arith.constant 0 : i32
      %add3A_311 = arith.addi %add3A_310, %mul3A_309 : i32
      %get3A_312 = arith.index_cast %add3A_311 : i32 to index
      %get3A_313 = tpu.vector_load %arg5[%get3A_312] {strides = array<i32>} : memref<16384xi32, #tpu.memory_space<vmem>>, vector<16xi32>,
      %add3A_314 = arith.constant 1 : i32
      %add3A_315 = vector.broadcast %add3A_314 : i32 to vector<16xi32>
      %add3A_316 = arith.addi %get3A_313, %add3A_315 : vector<16xi32>
      %gather3A_317 = tpu.vector_load_idx %arg6[%add3A_316] : memref<100001xf32, #tpu.memory_space<vmem>>[vector<16xi32>], vector<16xf32>,
      %swap3A_318 = arith.constant 0 : i32
      %swap3A_319 = arith.index_cast %swap3A_318 : i32 to index
      %swap3A_320 = arith.index_cast %mul3A_309 : i32 to index
      %swap3A_321 = tpu.vector_load %arg7[%swap3A_319, %swap3A_320] {strides = array<i32>} : memref<2x4096xf32, #tpu.memory_space<vmem>>, vector<16xf32>,
      tpu.vector_store %arg7[%swap3A_319, %swap3A_320], %gather3A_317 {strides = array<i32>} : memref<2x4096xf32, #tpu.memory_space<vmem>>, vector<16xf32>,
      %mul3A_322 = arith.constant 4 : i32
      %mul3A_323 = arith.muli %scan3A_288, %mul3A_322 : i32
      %add3A_324 = arith.constant 2 : i32
      %add3A_325 = arith.addi %mul3A_323, %add3A_324 : i32
      %mul3A_326 = arith.constant 16 : i32
      %mul3A_327 = arith.muli %add3A_325, %mul3A_326 : i32
      %add3A_328 = arith.constant 0 : i32
      %add3A_329 = arith.addi %add3A_328, %mul3A_327 : i32
      %get3A_330 = arith.index_cast %add3A_329 : i32 to index
      %get3A_331 = tpu.vector_load %arg5[%get3A_330] {strides = array<i32>} : memref<16384xi32, #tpu.memory_space<vmem>>, vector<16xi32>,
      %add3A_332 = arith.constant 1 : i32
      %add3A_333 = vector.broadcast %add3A_332 : i32 to vector<16xi32>
      %add3A_334 = arith.addi %get3A_331, %add3A_333 : vector<16xi32>
      %gather3A_335 = tpu.vector_load_idx %arg6[%add3A_334] : memref<100001xf32, #tpu.memory_space<vmem>>[vector<16xi32>], vector<16xf32>,
      %swap3A_336 = arith.constant 0 : i32
      %swap3A_337 = arith.index_cast %swap3A_336 : i32 to index
      %swap3A_338 = arith.index_cast %mul3A_327 : i32 to index
      %swap3A_339 = tpu.vector_load %arg7[%swap3A_337, %swap3A_338] {strides = array<i32>} : memref<2x4096xf32, #tpu.memory_space<vmem>>, vector<16xf32>,
      tpu.vector_store %arg7[%swap3A_337, %swap3A_338], %gather3A_335 {strides = array<i32>} : memref<2x4096xf32, #tpu.memory_space<vmem>>, vector<16xf32>,
      %mul3A_340 = arith.constant 4 : i32
      %mul3A_341 = arith.muli %scan3A_288, %mul3A_340 : i32
      %add3A_342 = arith.constant 3 : i32
      %add3A_343 = arith.addi %mul3A_341, %add3A_342 : i32
      %mul3A_344 = arith.constant 16 : i32
      %mul3A_345 = arith.muli %add3A_343, %mul3A_344 : i32
      %add3A_346 = arith.constant 0 : i32
      %add3A_347 = arith.addi %add3A_346, %mul3A_345 : i32
      %get3A_348 = arith.index_cast %add3A_347 : i32 to index
      %get3A_349 = tpu.vector_load %arg5[%get3A_348] {strides = array<i32>} : memref<16384xi32, #tpu.memory_space<vmem>>, vector<16xi32>,
      %add3A_350 = arith.constant 1 : i32
      %add3A_351 = vector.broadcast %add3A_350 : i32 to vector<16xi32>
      %add3A_352 = arith.addi %get3A_349, %add3A_351 : vector<16xi32>
      %gather3A_353 = tpu.vector_load_idx %arg6[%add3A_352] : memref<100001xf32, #tpu.memory_space<vmem>>[vector<16xi32>], vector<16xf32>,
      %swap3A_354 = arith.constant 0 : i32
      %swap3A_355 = arith.index_cast %swap3A_354 : i32 to index
      %swap3A_356 = arith.index_cast %mul3A_345 : i32 to index
      %swap3A_357 = tpu.vector_load %arg7[%swap3A_355, %swap3A_356] {strides = array<i32>} : memref<2x4096xf32, #tpu.memory_space<vmem>>, vector<16xf32>,
      tpu.vector_store %arg7[%swap3A_355, %swap3A_356], %gather3A_353 {strides = array<i32>} : memref<2x4096xf32, #tpu.memory_space<vmem>>, vector<16xf32>,
    }
    %scan3A_165 = arith.constant 64 : i32
    %dma_start3A_166 = arith.constant 0 : i32
    %dma_start3A_167 = arith.constant 0 : i32
    %dma_start3A_168 = tpu.memref_slice %arg7[%dma_start3A_166, %dma_start3A_167] : memref<2x4096xf32, #tpu.memory_space<vmem>> -> memref<1x4096xf32, #tpu.memory_space<vmem>>
    %dma_start3A_169 = tpu.memref_squeeze %dma_start3A_168 : memref<1x4096xf32, #tpu.memory_space<vmem>> -> memref<4096xf32, #tpu.memory_space<vmem>>
    %dma_start3A_170 = arith.constant 0 : i32
    %dma_start3A_171 = tpu.memref_slice %arg4[%add3A_159, %dma_start3A_170] : memref<64x16384xf32, #tpu.memory_space<hbm>> -> memref<1x4096xf32, #tpu.memory_space<hbm>>
    %dma_start3A_172 = tpu.memref_squeeze %dma_start3A_171 : memref<1x4096xf32, #tpu.memory_space<hbm>> -> memref<4096xf32, #tpu.memory_space<hbm>>
    %dma_start3A_173 = arith.constant 0 : i32
    %dma_start3A_174 = tpu.memref_slice %arg4[%add3A_159, %dma_start3A_173] : memref<64x16384xf32, #tpu.memory_space<hbm>> -> memref<1x4096xf32, #tpu.memory_space<hbm>>
    %dma_start3A_175 = tpu.memref_squeeze %dma_start3A_174 : memref<1x4096xf32, #tpu.memory_space<hbm>> -> memref<4096xf32, #tpu.memory_space<hbm>>
    %dma_start3A_176 = arith.constant 0 : i32
    %dma_start3A_177 = tpu.memref_slice %arg7[%dma_start3A_166, %dma_start3A_176] : memref<2x4096xf32, #tpu.memory_space<vmem>> -> memref<1x4096xf32, #tpu.memory_space<vmem>>
    %dma_start3A_178 = tpu.memref_squeeze %dma_start3A_177 : memref<1x4096xf32, #tpu.memory_space<vmem>> -> memref<4096xf32, #tpu.memory_space<vmem>>
    tpu.enqueue_dma source(%dma_start3A_178 : memref<4096xf32, #tpu.memory_space<vmem>>) target(%dma_start3A_175 : memref<4096xf32, #tpu.memory_space<hbm>>) target_semaphore(%arg10 : memref<!tpu.dma_semaphore, #tpu.memory_space<semaphore_mem>>)
    %scan3A_179 = arith.constant 0 : i32
    %scan3A_180 = arith.constant 0 : i32
    %scan3A_181 = arith.constant 64 : i32
    %scan3A_182 = arith.addi %scan3A_180, %scan3A_181 : i32
    %scan3A_183 = arith.constant 1 : i32
    scf.for %scan3A_288 = %scan3A_180 to %scan3A_182 step %scan3A_183  : i32 {
      %mul3A_289 = arith.constant 4 : i32
      %mul3A_290 = arith.muli %scan3A_288, %mul3A_289 : i32
      %add3A_291 = arith.constant 0 : i32
      %add3A_292 = arith.addi %mul3A_290, %add3A_291 : i32
      %mul3A_293 = arith.constant 16 : i32
      %mul3A_294 = arith.muli %add3A_292, %mul3A_293 : i32
      %add3A_295 = arith.constant 4096 : i32
      %add3A_296 = arith.addi %add3A_295, %mul3A_294 : i32
      %get3A = arith.index_cast %add3A_296 : i32 to index
      %get3A_297 = tpu.vector_load %arg5[%get3A] {strides = array<i32>} : memref<16384xi32, #tpu.memory_space<vmem>>, vector<16xi32>,
      %add3A_298 = arith.constant 1 : i32
      %add3A_299 = vector.broadcast %add3A_298 : i32 to vector<16xi32>
      %add3A_300 = arith.addi %get3A_297, %add3A_299 : vector<16xi32>
      %gather3A = tpu.vector_load_idx %arg6[%add3A_300] : memref<100001xf32, #tpu.memory_space<vmem>>[vector<16xi32>], vector<16xf32>,
      %swap3A = arith.constant 1 : i32
      %swap3A_301 = arith.index_cast %swap3A : i32 to index
      %swap3A_302 = arith.index_cast %mul3A_294 : i32 to index
      %swap3A_303 = tpu.vector_load %arg7[%swap3A_301, %swap3A_302] {strides = array<i32>} : memref<2x4096xf32, #tpu.memory_space<vmem>>, vector<16xf32>,
      tpu.vector_store %arg7[%swap3A_301, %swap3A_302], %gather3A {strides = array<i32>} : memref<2x4096xf32, #tpu.memory_space<vmem>>, vector<16xf32>,
      %mul3A_304 = arith.constant 4 : i32
      %mul3A_305 = arith.muli %scan3A_288, %mul3A_304 : i32
      %add3A_306 = arith.constant 1 : i32
      %add3A_307 = arith.addi %mul3A_305, %add3A_306 : i32
      %mul3A_308 = arith.constant 16 : i32
      %mul3A_309 = arith.muli %add3A_307, %mul3A_308 : i32
      %add3A_310 = arith.constant 4096 : i32
      %add3A_311 = arith.addi %add3A_310, %mul3A_309 : i32
      %get3A_312 = arith.index_cast %add3A_311 : i32 to index
      %get3A_313 = tpu.vector_load %arg5[%get3A_312] {strides = array<i32>} : memref<16384xi32, #tpu.memory_space<vmem>>, vector<16xi32>,
      %add3A_314 = arith.constant 1 : i32
      %add3A_315 = vector.broadcast %add3A_314 : i32 to vector<16xi32>
      %add3A_316 = arith.addi %get3A_313, %add3A_315 : vector<16xi32>
      %gather3A_317 = tpu.vector_load_idx %arg6[%add3A_316] : memref<100001xf32, #tpu.memory_space<vmem>>[vector<16xi32>], vector<16xf32>,
      %swap3A_318 = arith.constant 1 : i32
      %swap3A_319 = arith.index_cast %swap3A_318 : i32 to index
      %swap3A_320 = arith.index_cast %mul3A_309 : i32 to index
      %swap3A_321 = tpu.vector_load %arg7[%swap3A_319, %swap3A_320] {strides = array<i32>} : memref<2x4096xf32, #tpu.memory_space<vmem>>, vector<16xf32>,
      tpu.vector_store %arg7[%swap3A_319, %swap3A_320], %gather3A_317 {strides = array<i32>} : memref<2x4096xf32, #tpu.memory_space<vmem>>, vector<16xf32>,
      %mul3A_322 = arith.constant 4 : i32
      %mul3A_323 = arith.muli %scan3A_288, %mul3A_322 : i32
      %add3A_324 = arith.constant 2 : i32
      %add3A_325 = arith.addi %mul3A_323, %add3A_324 : i32
      %mul3A_326 = arith.constant 16 : i32
      %mul3A_327 = arith.muli %add3A_325, %mul3A_326 : i32
      %add3A_328 = arith.constant 4096 : i32
      %add3A_329 = arith.addi %add3A_328, %mul3A_327 : i32
      %get3A_330 = arith.index_cast %add3A_329 : i32 to index
      %get3A_331 = tpu.vector_load %arg5[%get3A_330] {strides = array<i32>} : memref<16384xi32, #tpu.memory_space<vmem>>, vector<16xi32>,
      %add3A_332 = arith.constant 1 : i32
      %add3A_333 = vector.broadcast %add3A_332 : i32 to vector<16xi32>
      %add3A_334 = arith.addi %get3A_331, %add3A_333 : vector<16xi32>
      %gather3A_335 = tpu.vector_load_idx %arg6[%add3A_334] : memref<100001xf32, #tpu.memory_space<vmem>>[vector<16xi32>], vector<16xf32>,
      %swap3A_336 = arith.constant 1 : i32
      %swap3A_337 = arith.index_cast %swap3A_336 : i32 to index
      %swap3A_338 = arith.index_cast %mul3A_327 : i32 to index
      %swap3A_339 = tpu.vector_load %arg7[%swap3A_337, %swap3A_338] {strides = array<i32>} : memref<2x4096xf32, #tpu.memory_space<vmem>>, vector<16xf32>,
      tpu.vector_store %arg7[%swap3A_337, %swap3A_338], %gather3A_335 {strides = array<i32>} : memref<2x4096xf32, #tpu.memory_space<vmem>>, vector<16xf32>,
      %mul3A_340 = arith.constant 4 : i32
      %mul3A_341 = arith.muli %scan3A_288, %mul3A_340 : i32
      %add3A_342 = arith.constant 3 : i32
      %add3A_343 = arith.addi %mul3A_341, %add3A_342 : i32
      %mul3A_344 = arith.constant 16 : i32
      %mul3A_345 = arith.muli %add3A_343, %mul3A_344 : i32
      %add3A_346 = arith.constant 4096 : i32
      %add3A_347 = arith.addi %add3A_346, %mul3A_345 : i32
      %get3A_348 = arith.index_cast %add3A_347 : i32 to index
      %get3A_349 = tpu.vector_load %arg5[%get3A_348] {strides = array<i32>} : memref<16384xi32, #tpu.memory_space<vmem>>, vector<16xi32>,
      %add3A_350 = arith.constant 1 : i32
      %add3A_351 = vector.broadcast %add3A_350 : i32 to vector<16xi32>
      %add3A_352 = arith.addi %get3A_349, %add3A_351 : vector<16xi32>
      %gather3A_353 = tpu.vector_load_idx %arg6[%add3A_352] : memref<100001xf32, #tpu.memory_space<vmem>>[vector<16xi32>], vector<16xf32>,
      %swap3A_354 = arith.constant 1 : i32
      %swap3A_355 = arith.index_cast %swap3A_354 : i32 to index
      %swap3A_356 = arith.index_cast %mul3A_345 : i32 to index
      %swap3A_357 = tpu.vector_load %arg7[%swap3A_355, %swap3A_356] {strides = array<i32>} : memref<2x4096xf32, #tpu.memory_space<vmem>>, vector<16xf32>,
      tpu.vector_store %arg7[%swap3A_355, %swap3A_356], %gather3A_353 {strides = array<i32>} : memref<2x4096xf32, #tpu.memory_space<vmem>>, vector<16xf32>,
    }
    %scan3A_184 = arith.constant 64 : i32
    %dma_start3A_185 = arith.constant 1 : i32
    %dma_start3A_186 = arith.constant 0 : i32
    %dma_start3A_187 = tpu.memref_slice %arg7[%dma_start3A_185, %dma_start3A_186] : memref<2x4096xf32, #tpu.memory_space<vmem>> -> memref<1x4096xf32, #tpu.memory_space<vmem>>
    %dma_start3A_188 = tpu.memref_squeeze %dma_start3A_187 : memref<1x4096xf32, #tpu.memory_space<vmem>> -> memref<4096xf32, #tpu.memory_space<vmem>>
    %dma_start3A_189 = arith.constant 4096 : i32
    %dma_start3A_190 = tpu.memref_slice %arg4[%add3A_159, %dma_start3A_189] : memref<64x16384xf32, #tpu.memory_space<hbm>> -> memref<1x4096xf32, #tpu.memory_space<hbm>>
    %dma_start3A_191 = tpu.memref_squeeze %dma_start3A_190 : memref<1x4096xf32, #tpu.memory_space<hbm>> -> memref<4096xf32, #tpu.memory_space<hbm>>
    %dma_start3A_192 = arith.constant 4096 : i32
    %dma_start3A_193 = tpu.memref_slice %arg4[%add3A_159, %dma_start3A_192] : memref<64x16384xf32, #tpu.memory_space<hbm>> -> memref<1x4096xf32, #tpu.memory_space<hbm>>
    %dma_start3A_194 = tpu.memref_squeeze %dma_start3A_193 : memref<1x4096xf32, #tpu.memory_space<hbm>> -> memref<4096xf32, #tpu.memory_space<hbm>>
    %dma_start3A_195 = arith.constant 0 : i32
    %dma_start3A_196 = tpu.memref_slice %arg7[%dma_start3A_185, %dma_start3A_195] : memref<2x4096xf32, #tpu.memory_space<vmem>> -> memref<1x4096xf32, #tpu.memory_space<vmem>>
    %dma_start3A_197 = tpu.memref_squeeze %dma_start3A_196 : memref<1x4096xf32, #tpu.memory_space<vmem>> -> memref<4096xf32, #tpu.memory_space<vmem>>
    tpu.enqueue_dma source(%dma_start3A_197 : memref<4096xf32, #tpu.memory_space<vmem>>) target(%dma_start3A_194 : memref<4096xf32, #tpu.memory_space<hbm>>) target_semaphore(%arg10 : memref<!tpu.dma_semaphore, #tpu.memory_space<semaphore_mem>>)
    %dma_wait3A_198 = arith.constant 0 : i32
    %dma_wait3A_199 = arith.constant 0 : i32
    %dma_wait3A_200 = tpu.memref_slice %arg7[%dma_wait3A_198, %dma_wait3A_199] : memref<2x4096xf32, #tpu.memory_space<vmem>> -> memref<1x4096xf32, #tpu.memory_space<vmem>>
    %dma_wait3A_201 = tpu.memref_squeeze %dma_wait3A_200 : memref<1x4096xf32, #tpu.memory_space<vmem>> -> memref<4096xf32, #tpu.memory_space<vmem>>
    %dma_wait3A_202 = arith.constant 0 : i32
    %dma_wait3A_203 = tpu.memref_slice %arg4[%add3A_159, %dma_wait3A_202] : memref<64x16384xf32, #tpu.memory_space<hbm>> -> memref<1x4096xf32, #tpu.memory_space<hbm>>
    %dma_wait3A_204 = tpu.memref_squeeze %dma_wait3A_203 : memref<1x4096xf32, #tpu.memory_space<hbm>> -> memref<4096xf32, #tpu.memory_space<hbm>>
    %dma_wait3A_205 = arith.constant 0 : i32
    %dma_wait3A_206 = tpu.memref_slice %arg4[%add3A_159, %dma_wait3A_205] : memref<64x16384xf32, #tpu.memory_space<hbm>> -> memref<1x4096xf32, #tpu.memory_space<hbm>>
    %dma_wait3A_207 = tpu.memref_squeeze %dma_wait3A_206 : memref<1x4096xf32, #tpu.memory_space<hbm>> -> memref<4096xf32, #tpu.memory_space<hbm>>
    %dma_wait3A_208 = arith.constant 0 : i32
    %dma_wait3A_209 = tpu.memref_slice %arg7[%dma_wait3A_198, %dma_wait3A_208] : memref<2x4096xf32, #tpu.memory_space<vmem>> -> memref<1x4096xf32, #tpu.memory_space<vmem>>
    %dma_wait3A_210 = tpu.memref_squeeze %dma_wait3A_209 : memref<1x4096xf32, #tpu.memory_space<vmem>> -> memref<4096xf32, #tpu.memory_space<vmem>>
    tpu.wait_dma2 semaphore(%arg10 : memref<!tpu.dma_semaphore, #tpu.memory_space<semaphore_mem>>) src(%dma_wait3A_210 : memref<4096xf32, #tpu.memory_space<vmem>>) dst(%dma_wait3A_207 : memref<4096xf32, #tpu.memory_space<hbm>>)
    %scan3A_211 = arith.constant 0 : i32
    %scan3A_212 = arith.constant 0 : i32
    %scan3A_213 = arith.constant 64 : i32
    %scan3A_214 = arith.addi %scan3A_212, %scan3A_213 : i32
    %scan3A_215 = arith.constant 1 : i32
    scf.for %scan3A_288 = %scan3A_212 to %scan3A_214 step %scan3A_215  : i32 {
      %mul3A_289 = arith.constant 4 : i32
      %mul3A_290 = arith.muli %scan3A_288, %mul3A_289 : i32
      %add3A_291 = arith.constant 0 : i32
      %add3A_292 = arith.addi %mul3A_290, %add3A_291 : i32
      %mul3A_293 = arith.constant 16 : i32
      %mul3A_294 = arith.muli %add3A_292, %mul3A_293 : i32
      %add3A_295 = arith.constant 8192 : i32
      %add3A_296 = arith.addi %add3A_295, %mul3A_294 : i32
      %get3A = arith.index_cast %add3A_296 : i32 to index
      %get3A_297 = tpu.vector_load %arg5[%get3A] {strides = array<i32>} : memref<16384xi32, #tpu.memory_space<vmem>>, vector<16xi32>,
      %add3A_298 = arith.constant 1 : i32
      %add3A_299 = vector.broadcast %add3A_298 : i32 to vector<16xi32>
      %add3A_300 = arith.addi %get3A_297, %add3A_299 : vector<16xi32>
      %gather3A = tpu.vector_load_idx %arg6[%add3A_300] : memref<100001xf32, #tpu.memory_space<vmem>>[vector<16xi32>], vector<16xf32>,
      %swap3A = arith.constant 0 : i32
      %swap3A_301 = arith.index_cast %swap3A : i32 to index
      %swap3A_302 = arith.index_cast %mul3A_294 : i32 to index
      %swap3A_303 = tpu.vector_load %arg7[%swap3A_301, %swap3A_302] {strides = array<i32>} : memref<2x4096xf32, #tpu.memory_space<vmem>>, vector<16xf32>,
      tpu.vector_store %arg7[%swap3A_301, %swap3A_302], %gather3A {strides = array<i32>} : memref<2x4096xf32, #tpu.memory_space<vmem>>, vector<16xf32>,
      %mul3A_304 = arith.constant 4 : i32
      %mul3A_305 = arith.muli %scan3A_288, %mul3A_304 : i32
      %add3A_306 = arith.constant 1 : i32
      %add3A_307 = arith.addi %mul3A_305, %add3A_306 : i32
      %mul3A_308 = arith.constant 16 : i32
      %mul3A_309 = arith.muli %add3A_307, %mul3A_308 : i32
      %add3A_310 = arith.constant 8192 : i32
      %add3A_311 = arith.addi %add3A_310, %mul3A_309 : i32
      %get3A_312 = arith.index_cast %add3A_311 : i32 to index
      %get3A_313 = tpu.vector_load %arg5[%get3A_312] {strides = array<i32>} : memref<16384xi32, #tpu.memory_space<vmem>>, vector<16xi32>,
      %add3A_314 = arith.constant 1 : i32
      %add3A_315 = vector.broadcast %add3A_314 : i32 to vector<16xi32>
      %add3A_316 = arith.addi %get3A_313, %add3A_315 : vector<16xi32>
      %gather3A_317 = tpu.vector_load_idx %arg6[%add3A_316] : memref<100001xf32, #tpu.memory_space<vmem>>[vector<16xi32>], vector<16xf32>,
      %swap3A_318 = arith.constant 0 : i32
      %swap3A_319 = arith.index_cast %swap3A_318 : i32 to index
      %swap3A_320 = arith.index_cast %mul3A_309 : i32 to index
      %swap3A_321 = tpu.vector_load %arg7[%swap3A_319, %swap3A_320] {strides = array<i32>} : memref<2x4096xf32, #tpu.memory_space<vmem>>, vector<16xf32>,
      tpu.vector_store %arg7[%swap3A_319, %swap3A_320], %gather3A_317 {strides = array<i32>} : memref<2x4096xf32, #tpu.memory_space<vmem>>, vector<16xf32>,
      %mul3A_322 = arith.constant 4 : i32
      %mul3A_323 = arith.muli %scan3A_288, %mul3A_322 : i32
      %add3A_324 = arith.constant 2 : i32
      %add3A_325 = arith.addi %mul3A_323, %add3A_324 : i32
      %mul3A_326 = arith.constant 16 : i32
      %mul3A_327 = arith.muli %add3A_325, %mul3A_326 : i32
      %add3A_328 = arith.constant 8192 : i32
      %add3A_329 = arith.addi %add3A_328, %mul3A_327 : i32
      %get3A_330 = arith.index_cast %add3A_329 : i32 to index
      %get3A_331 = tpu.vector_load %arg5[%get3A_330] {strides = array<i32>} : memref<16384xi32, #tpu.memory_space<vmem>>, vector<16xi32>,
      %add3A_332 = arith.constant 1 : i32
      %add3A_333 = vector.broadcast %add3A_332 : i32 to vector<16xi32>
      %add3A_334 = arith.addi %get3A_331, %add3A_333 : vector<16xi32>
      %gather3A_335 = tpu.vector_load_idx %arg6[%add3A_334] : memref<100001xf32, #tpu.memory_space<vmem>>[vector<16xi32>], vector<16xf32>,
      %swap3A_336 = arith.constant 0 : i32
      %swap3A_337 = arith.index_cast %swap3A_336 : i32 to index
      %swap3A_338 = arith.index_cast %mul3A_327 : i32 to index
      %swap3A_339 = tpu.vector_load %arg7[%swap3A_337, %swap3A_338] {strides = array<i32>} : memref<2x4096xf32, #tpu.memory_space<vmem>>, vector<16xf32>,
      tpu.vector_store %arg7[%swap3A_337, %swap3A_338], %gather3A_335 {strides = array<i32>} : memref<2x4096xf32, #tpu.memory_space<vmem>>, vector<16xf32>,
      %mul3A_340 = arith.constant 4 : i32
      %mul3A_341 = arith.muli %scan3A_288, %mul3A_340 : i32
      %add3A_342 = arith.constant 3 : i32
      %add3A_343 = arith.addi %mul3A_341, %add3A_342 : i32
      %mul3A_344 = arith.constant 16 : i32
      %mul3A_345 = arith.muli %add3A_343, %mul3A_344 : i32
      %add3A_346 = arith.constant 8192 : i32
      %add3A_347 = arith.addi %add3A_346, %mul3A_345 : i32
      %get3A_348 = arith.index_cast %add3A_347 : i32 to index
      %get3A_349 = tpu.vector_load %arg5[%get3A_348] {strides = array<i32>} : memref<16384xi32, #tpu.memory_space<vmem>>, vector<16xi32>,
      %add3A_350 = arith.constant 1 : i32
      %add3A_351 = vector.broadcast %add3A_350 : i32 to vector<16xi32>
      %add3A_352 = arith.addi %get3A_349, %add3A_351 : vector<16xi32>
      %gather3A_353 = tpu.vector_load_idx %arg6[%add3A_352] : memref<100001xf32, #tpu.memory_space<vmem>>[vector<16xi32>], vector<16xf32>,
      %swap3A_354 = arith.constant 0 : i32
      %swap3A_355 = arith.index_cast %swap3A_354 : i32 to index
      %swap3A_356 = arith.index_cast %mul3A_345 : i32 to index
      %swap3A_357 = tpu.vector_load %arg7[%swap3A_355, %swap3A_356] {strides = array<i32>} : memref<2x4096xf32, #tpu.memory_space<vmem>>, vector<16xf32>,
      tpu.vector_store %arg7[%swap3A_355, %swap3A_356], %gather3A_353 {strides = array<i32>} : memref<2x4096xf32, #tpu.memory_space<vmem>>, vector<16xf32>,
    }
    %scan3A_216 = arith.constant 64 : i32
    %dma_start3A_217 = arith.constant 0 : i32
    %dma_start3A_218 = arith.constant 0 : i32
    %dma_start3A_219 = tpu.memref_slice %arg7[%dma_start3A_217, %dma_start3A_218] : memref<2x4096xf32, #tpu.memory_space<vmem>> -> memref<1x4096xf32, #tpu.memory_space<vmem>>
    %dma_start3A_220 = tpu.memref_squeeze %dma_start3A_219 : memref<1x4096xf32, #tpu.memory_space<vmem>> -> memref<4096xf32, #tpu.memory_space<vmem>>
    %dma_start3A_221 = arith.constant 8192 : i32
    %dma_start3A_222 = tpu.memref_slice %arg4[%add3A_159, %dma_start3A_221] : memref<64x16384xf32, #tpu.memory_space<hbm>> -> memref<1x4096xf32, #tpu.memory_space<hbm>>
    %dma_start3A_223 = tpu.memref_squeeze %dma_start3A_222 : memref<1x4096xf32, #tpu.memory_space<hbm>> -> memref<4096xf32, #tpu.memory_space<hbm>>
    %dma_start3A_224 = arith.constant 8192 : i32
    %dma_start3A_225 = tpu.memref_slice %arg4[%add3A_159, %dma_start3A_224] : memref<64x16384xf32, #tpu.memory_space<hbm>> -> memref<1x4096xf32, #tpu.memory_space<hbm>>
    %dma_start3A_226 = tpu.memref_squeeze %dma_start3A_225 : memref<1x4096xf32, #tpu.memory_space<hbm>> -> memref<4096xf32, #tpu.memory_space<hbm>>
    %dma_start3A_227 = arith.constant 0 : i32
    %dma_start3A_228 = tpu.memref_slice %arg7[%dma_start3A_217, %dma_start3A_227] : memref<2x4096xf32, #tpu.memory_space<vmem>> -> memref<1x4096xf32, #tpu.memory_space<vmem>>
    %dma_start3A_229 = tpu.memref_squeeze %dma_start3A_228 : memref<1x4096xf32, #tpu.memory_space<vmem>> -> memref<4096xf32, #tpu.memory_space<vmem>>
    tpu.enqueue_dma source(%dma_start3A_229 : memref<4096xf32, #tpu.memory_space<vmem>>) target(%dma_start3A_226 : memref<4096xf32, #tpu.memory_space<hbm>>) target_semaphore(%arg10 : memref<!tpu.dma_semaphore, #tpu.memory_space<semaphore_mem>>)
    %dma_wait3A_230 = arith.constant 1 : i32
    %dma_wait3A_231 = arith.constant 0 : i32
    %dma_wait3A_232 = tpu.memref_slice %arg7[%dma_wait3A_230, %dma_wait3A_231] : memref<2x4096xf32, #tpu.memory_space<vmem>> -> memref<1x4096xf32, #tpu.memory_space<vmem>>
    %dma_wait3A_233 = tpu.memref_squeeze %dma_wait3A_232 : memref<1x4096xf32, #tpu.memory_space<vmem>> -> memref<4096xf32, #tpu.memory_space<vmem>>
    %dma_wait3A_234 = arith.constant 4096 : i32
    %dma_wait3A_235 = tpu.memref_slice %arg4[%add3A_159, %dma_wait3A_234] : memref<64x16384xf32, #tpu.memory_space<hbm>> -> memref<1x4096xf32, #tpu.memory_space<hbm>>
    %dma_wait3A_236 = tpu.memref_squeeze %dma_wait3A_235 : memref<1x4096xf32, #tpu.memory_space<hbm>> -> memref<4096xf32, #tpu.memory_space<hbm>>
    %dma_wait3A_237 = arith.constant 4096 : i32
    %dma_wait3A_238 = tpu.memref_slice %arg4[%add3A_159, %dma_wait3A_237] : memref<64x16384xf32, #tpu.memory_space<hbm>> -> memref<1x4096xf32, #tpu.memory_space<hbm>>
    %dma_wait3A_239 = tpu.memref_squeeze %dma_wait3A_238 : memref<1x4096xf32, #tpu.memory_space<hbm>> -> memref<4096xf32, #tpu.memory_space<hbm>>
    %dma_wait3A_240 = arith.constant 0 : i32
    %dma_wait3A_241 = tpu.memref_slice %arg7[%dma_wait3A_230, %dma_wait3A_240] : memref<2x4096xf32, #tpu.memory_space<vmem>> -> memref<1x4096xf32, #tpu.memory_space<vmem>>
    %dma_wait3A_242 = tpu.memref_squeeze %dma_wait3A_241 : memref<1x4096xf32, #tpu.memory_space<vmem>> -> memref<4096xf32, #tpu.memory_space<vmem>>
    tpu.wait_dma2 semaphore(%arg10 : memref<!tpu.dma_semaphore, #tpu.memory_space<semaphore_mem>>) src(%dma_wait3A_242 : memref<4096xf32, #tpu.memory_space<vmem>>) dst(%dma_wait3A_239 : memref<4096xf32, #tpu.memory_space<hbm>>)
    %scan3A_243 = arith.constant 0 : i32
    %scan3A_244 = arith.constant 0 : i32
    %scan3A_245 = arith.constant 64 : i32
    %scan3A_246 = arith.addi %scan3A_244, %scan3A_245 : i32
    %scan3A_247 = arith.constant 1 : i32
    scf.for %scan3A_288 = %scan3A_244 to %scan3A_246 step %scan3A_247  : i32 {
      %mul3A_289 = arith.constant 4 : i32
      %mul3A_290 = arith.muli %scan3A_288, %mul3A_289 : i32
      %add3A_291 = arith.constant 0 : i32
      %add3A_292 = arith.addi %mul3A_290, %add3A_291 : i32
      %mul3A_293 = arith.constant 16 : i32
      %mul3A_294 = arith.muli %add3A_292, %mul3A_293 : i32
      %add3A_295 = arith.constant 12288 : i32
      %add3A_296 = arith.addi %add3A_295, %mul3A_294 : i32
      %get3A = arith.index_cast %add3A_296 : i32 to index
      %get3A_297 = tpu.vector_load %arg5[%get3A] {strides = array<i32>} : memref<16384xi32, #tpu.memory_space<vmem>>, vector<16xi32>,
      %add3A_298 = arith.constant 1 : i32
      %add3A_299 = vector.broadcast %add3A_298 : i32 to vector<16xi32>
      %add3A_300 = arith.addi %get3A_297, %add3A_299 : vector<16xi32>
      %gather3A = tpu.vector_load_idx %arg6[%add3A_300] : memref<100001xf32, #tpu.memory_space<vmem>>[vector<16xi32>], vector<16xf32>,
      %swap3A = arith.constant 1 : i32
      %swap3A_301 = arith.index_cast %swap3A : i32 to index
      %swap3A_302 = arith.index_cast %mul3A_294 : i32 to index
      %swap3A_303 = tpu.vector_load %arg7[%swap3A_301, %swap3A_302] {strides = array<i32>} : memref<2x4096xf32, #tpu.memory_space<vmem>>, vector<16xf32>,
      tpu.vector_store %arg7[%swap3A_301, %swap3A_302], %gather3A {strides = array<i32>} : memref<2x4096xf32, #tpu.memory_space<vmem>>, vector<16xf32>,
      %mul3A_304 = arith.constant 4 : i32
      %mul3A_305 = arith.muli %scan3A_288, %mul3A_304 : i32
      %add3A_306 = arith.constant 1 : i32
      %add3A_307 = arith.addi %mul3A_305, %add3A_306 : i32
      %mul3A_308 = arith.constant 16 : i32
      %mul3A_309 = arith.muli %add3A_307, %mul3A_308 : i32
      %add3A_310 = arith.constant 12288 : i32
      %add3A_311 = arith.addi %add3A_310, %mul3A_309 : i32
      %get3A_312 = arith.index_cast %add3A_311 : i32 to index
      %get3A_313 = tpu.vector_load %arg5[%get3A_312] {strides = array<i32>} : memref<16384xi32, #tpu.memory_space<vmem>>, vector<16xi32>,
      %add3A_314 = arith.constant 1 : i32
      %add3A_315 = vector.broadcast %add3A_314 : i32 to vector<16xi32>
      %add3A_316 = arith.addi %get3A_313, %add3A_315 : vector<16xi32>
      %gather3A_317 = tpu.vector_load_idx %arg6[%add3A_316] : memref<100001xf32, #tpu.memory_space<vmem>>[vector<16xi32>], vector<16xf32>,
      %swap3A_318 = arith.constant 1 : i32
      %swap3A_319 = arith.index_cast %swap3A_318 : i32 to index
      %swap3A_320 = arith.index_cast %mul3A_309 : i32 to index
      %swap3A_321 = tpu.vector_load %arg7[%swap3A_319, %swap3A_320] {strides = array<i32>} : memref<2x4096xf32, #tpu.memory_space<vmem>>, vector<16xf32>,
      tpu.vector_store %arg7[%swap3A_319, %swap3A_320], %gather3A_317 {strides = array<i32>} : memref<2x4096xf32, #tpu.memory_space<vmem>>, vector<16xf32>,
      %mul3A_322 = arith.constant 4 : i32
      %mul3A_323 = arith.muli %scan3A_288, %mul3A_322 : i32
      %add3A_324 = arith.constant 2 : i32
      %add3A_325 = arith.addi %mul3A_323, %add3A_324 : i32
      %mul3A_326 = arith.constant 16 : i32
      %mul3A_327 = arith.muli %add3A_325, %mul3A_326 : i32
      %add3A_328 = arith.constant 12288 : i32
      %add3A_329 = arith.addi %add3A_328, %mul3A_327 : i32
      %get3A_330 = arith.index_cast %add3A_329 : i32 to index
      %get3A_331 = tpu.vector_load %arg5[%get3A_330] {strides = array<i32>} : memref<16384xi32, #tpu.memory_space<vmem>>, vector<16xi32>,
      %add3A_332 = arith.constant 1 : i32
      %add3A_333 = vector.broadcast %add3A_332 : i32 to vector<16xi32>
      %add3A_334 = arith.addi %get3A_331, %add3A_333 : vector<16xi32>
      %gather3A_335 = tpu.vector_load_idx %arg6[%add3A_334] : memref<100001xf32, #tpu.memory_space<vmem>>[vector<16xi32>], vector<16xf32>,
      %swap3A_336 = arith.constant 1 : i32
      %swap3A_337 = arith.index_cast %swap3A_336 : i32 to index
      %swap3A_338 = arith.index_cast %mul3A_327 : i32 to index
      %swap3A_339 = tpu.vector_load %arg7[%swap3A_337, %swap3A_338] {strides = array<i32>} : memref<2x4096xf32, #tpu.memory_space<vmem>>, vector<16xf32>,
      tpu.vector_store %arg7[%swap3A_337, %swap3A_338], %gather3A_335 {strides = array<i32>} : memref<2x4096xf32, #tpu.memory_space<vmem>>, vector<16xf32>,
      %mul3A_340 = arith.constant 4 : i32
      %mul3A_341 = arith.muli %scan3A_288, %mul3A_340 : i32
      %add3A_342 = arith.constant 3 : i32
      %add3A_343 = arith.addi %mul3A_341, %add3A_342 : i32
      %mul3A_344 = arith.constant 16 : i32
      %mul3A_345 = arith.muli %add3A_343, %mul3A_344 : i32
      %add3A_346 = arith.constant 12288 : i32
      %add3A_347 = arith.addi %add3A_346, %mul3A_345 : i32
      %get3A_348 = arith.index_cast %add3A_347 : i32 to index
      %get3A_349 = tpu.vector_load %arg5[%get3A_348] {strides = array<i32>} : memref<16384xi32, #tpu.memory_space<vmem>>, vector<16xi32>,
      %add3A_350 = arith.constant 1 : i32
      %add3A_351 = vector.broadcast %add3A_350 : i32 to vector<16xi32>
      %add3A_352 = arith.addi %get3A_349, %add3A_351 : vector<16xi32>
      %gather3A_353 = tpu.vector_load_idx %arg6[%add3A_352] : memref<100001xf32, #tpu.memory_space<vmem>>[vector<16xi32>], vector<16xf32>,
      %swap3A_354 = arith.constant 1 : i32
      %swap3A_355 = arith.index_cast %swap3A_354 : i32 to index
      %swap3A_356 = arith.index_cast %mul3A_345 : i32 to index
      %swap3A_357 = tpu.vector_load %arg7[%swap3A_355, %swap3A_356] {strides = array<i32>} : memref<2x4096xf32, #tpu.memory_space<vmem>>, vector<16xf32>,
      tpu.vector_store %arg7[%swap3A_355, %swap3A_356], %gather3A_353 {strides = array<i32>} : memref<2x4096xf32, #tpu.memory_space<vmem>>, vector<16xf32>,
    }
    %scan3A_248 = arith.constant 64 : i32
    %dma_start3A_249 = arith.constant 1 : i32
    %dma_start3A_250 = arith.constant 0 : i32
    %dma_start3A_251 = tpu.memref_slice %arg7[%dma_start3A_249, %dma_start3A_250] : memref<2x4096xf32, #tpu.memory_space<vmem>> -> memref<1x4096xf32, #tpu.memory_space<vmem>>
    %dma_start3A_252 = tpu.memref_squeeze %dma_start3A_251 : memref<1x4096xf32, #tpu.memory_space<vmem>> -> memref<4096xf32, #tpu.memory_space<vmem>>
    %dma_start3A_253 = arith.constant 12288 : i32
    %dma_start3A_254 = tpu.memref_slice %arg4[%add3A_159, %dma_start3A_253] : memref<64x16384xf32, #tpu.memory_space<hbm>> -> memref<1x4096xf32, #tpu.memory_space<hbm>>
    %dma_start3A_255 = tpu.memref_squeeze %dma_start3A_254 : memref<1x4096xf32, #tpu.memory_space<hbm>> -> memref<4096xf32, #tpu.memory_space<hbm>>
    %dma_start3A_256 = arith.constant 12288 : i32
    %dma_start3A_257 = tpu.memref_slice %arg4[%add3A_159, %dma_start3A_256] : memref<64x16384xf32, #tpu.memory_space<hbm>> -> memref<1x4096xf32, #tpu.memory_space<hbm>>
    %dma_start3A_258 = tpu.memref_squeeze %dma_start3A_257 : memref<1x4096xf32, #tpu.memory_space<hbm>> -> memref<4096xf32, #tpu.memory_space<hbm>>
    %dma_start3A_259 = arith.constant 0 : i32
    %dma_start3A_260 = tpu.memref_slice %arg7[%dma_start3A_249, %dma_start3A_259] : memref<2x4096xf32, #tpu.memory_space<vmem>> -> memref<1x4096xf32, #tpu.memory_space<vmem>>
    %dma_start3A_261 = tpu.memref_squeeze %dma_start3A_260 : memref<1x4096xf32, #tpu.memory_space<vmem>> -> memref<4096xf32, #tpu.memory_space<vmem>>
    tpu.enqueue_dma source(%dma_start3A_261 : memref<4096xf32, #tpu.memory_space<vmem>>) target(%dma_start3A_258 : memref<4096xf32, #tpu.memory_space<hbm>>) target_semaphore(%arg10 : memref<!tpu.dma_semaphore, #tpu.memory_space<semaphore_mem>>)
    %dma_wait3A_262 = arith.constant 0 : i32
    %dma_wait3A_263 = arith.constant 0 : i32
    %dma_wait3A_264 = tpu.memref_slice %arg7[%dma_wait3A_262, %dma_wait3A_263] : memref<2x4096xf32, #tpu.memory_space<vmem>> -> memref<1x4096xf32, #tpu.memory_space<vmem>>
    %dma_wait3A_265 = tpu.memref_squeeze %dma_wait3A_264 : memref<1x4096xf32, #tpu.memory_space<vmem>> -> memref<4096xf32, #tpu.memory_space<vmem>>
    %dma_wait3A_266 = arith.constant 8192 : i32
    %dma_wait3A_267 = tpu.memref_slice %arg4[%add3A_159, %dma_wait3A_266] : memref<64x16384xf32, #tpu.memory_space<hbm>> -> memref<1x4096xf32, #tpu.memory_space<hbm>>
    %dma_wait3A_268 = tpu.memref_squeeze %dma_wait3A_267 : memref<1x4096xf32, #tpu.memory_space<hbm>> -> memref<4096xf32, #tpu.memory_space<hbm>>
    %dma_wait3A_269 = arith.constant 8192 : i32
    %dma_wait3A_270 = tpu.memref_slice %arg4[%add3A_159, %dma_wait3A_269] : memref<64x16384xf32, #tpu.memory_space<hbm>> -> memref<1x4096xf32, #tpu.memory_space<hbm>>
    %dma_wait3A_271 = tpu.memref_squeeze %dma_wait3A_270 : memref<1x4096xf32, #tpu.memory_space<hbm>> -> memref<4096xf32, #tpu.memory_space<hbm>>
    %dma_wait3A_272 = arith.constant 0 : i32
    %dma_wait3A_273 = tpu.memref_slice %arg7[%dma_wait3A_262, %dma_wait3A_272] : memref<2x4096xf32, #tpu.memory_space<vmem>> -> memref<1x4096xf32, #tpu.memory_space<vmem>>
    %dma_wait3A_274 = tpu.memref_squeeze %dma_wait3A_273 : memref<1x4096xf32, #tpu.memory_space<vmem>> -> memref<4096xf32, #tpu.memory_space<vmem>>
    tpu.wait_dma2 semaphore(%arg10 : memref<!tpu.dma_semaphore, #tpu.memory_space<semaphore_mem>>) src(%dma_wait3A_274 : memref<4096xf32, #tpu.memory_space<vmem>>) dst(%dma_wait3A_271 : memref<4096xf32, #tpu.memory_space<hbm>>)
    %dma_wait3A_275 = arith.constant 1 : i32
    %dma_wait3A_276 = arith.constant 0 : i32
    %dma_wait3A_277 = tpu.memref_slice %arg7[%dma_wait3A_275, %dma_wait3A_276] : memref<2x4096xf32, #tpu.memory_space<vmem>> -> memref<1x4096xf32, #tpu.memory_space<vmem>>
    %dma_wait3A_278 = tpu.memref_squeeze %dma_wait3A_277 : memref<1x4096xf32, #tpu.memory_space<vmem>> -> memref<4096xf32, #tpu.memory_space<vmem>>
    %dma_wait3A_279 = arith.constant 12288 : i32
    %dma_wait3A_280 = tpu.memref_slice %arg4[%add3A_159, %dma_wait3A_279] : memref<64x16384xf32, #tpu.memory_space<hbm>> -> memref<1x4096xf32, #tpu.memory_space<hbm>>
    %dma_wait3A_281 = tpu.memref_squeeze %dma_wait3A_280 : memref<1x4096xf32, #tpu.memory_space<hbm>> -> memref<4096xf32, #tpu.memory_space<hbm>>
    %dma_wait3A_282 = arith.constant 12288 : i32
    %dma_wait3A_283 = tpu.memref_slice %arg4[%add3A_159, %dma_wait3A_282] : memref<64x16384xf32, #tpu.memory_space<hbm>> -> memref<1x4096xf32, #tpu.memory_space<hbm>>
    %dma_wait3A_284 = tpu.memref_squeeze %dma_wait3A_283 : memref<1x4096xf32, #tpu.memory_space<hbm>> -> memref<4096xf32, #tpu.memory_space<hbm>>
    %dma_wait3A_285 = arith.constant 0 : i32
    %dma_wait3A_286 = tpu.memref_slice %arg7[%dma_wait3A_275, %dma_wait3A_285] : memref<2x4096xf32, #tpu.memory_space<vmem>> -> memref<1x4096xf32, #tpu.memory_space<vmem>>
    %dma_wait3A_287 = tpu.memref_squeeze %dma_wait3A_286 : memref<1x4096xf32, #tpu.memory_space<vmem>> -> memref<4096xf32, #tpu.memory_space<vmem>>
    tpu.wait_dma2 semaphore(%arg10 : memref<!tpu.dma_semaphore, #tpu.memory_space<semaphore_mem>>) src(%dma_wait3A_287 : memref<4096xf32, #tpu.memory_space<vmem>>) dst(%dma_wait3A_284 : memref<4096xf32, #tpu.memory_space<hbm>>)
    return
  }
}

</mosaic_0001>

<sc_bundles>
// kernel: kernel.3.cloned.1.call-start
scs
__scs_entry_jumppad:
0x0: {  	(pc) =	sbr.rel $0x88, $3  }
0x1: {  	(tag) =	ssettag $0x0;
	lr =	simm.s32 $0x1  }
0x2: {  	[smem:$0x3F9F] =	sst lr;
	_ =	strace $0xD0000000  }
0x3: {  	_ = 	snop  }
0x4: {  	_ = 	snop  }
0x5: {  	_ = 	snop  }
0x6: {  	_ = 	snop  }
0x7: {  	_ = 	snop  }
__scs_overlays_trampoline_lowered:
0x8: {  	[smem:$0x3FAE] =	sst s0  }
0x9: {  	[smem:$0x3FAF] =	sst s1  }
0xa: {  	[smem:$0x3FB0] =	sst s2  }
0xb: {  	[smem:$0x3FB1] =	sst s3  }
0xc: {  	[smem:$0x3FB2] =	sst s4  }
0xd: {  	[smem:$0x3FB3] =	sst s5  }
0xe: {  	[smem:$0x3FB4] =	sst s6  }
0xf: {  	[smem:$0x3FB5] =	sst s7  }
0x10: {  	[smem:$0x3FB6] =	sst s8  }
0x11: {  	[smem:$0x3FB7] =	sst s9;
	s0 =	simm.s32 @!p0 $0x0  }
0x12: {  	s1 =	sld [smem:$0x3F9D];
	s0 =	simm.s32 @p0 $0x1  }
0x13: {  	[smem:$0x3FB8] =	sst s0;
	s0 =	simm.s32 @!p1 $0x0  }
0x14: {  	s2 =	sld [smem:$0x3F9C];
	s0 =	simm.s32 @p1 $0x1  }
0x15: {  	[smem:$0x3FB9] =	sst s0;
	s0 =	simm.s32 @!p2 $0x0  }
0x16: {  	s3 =	sld [smem:$0x3FDB];
	s0 =	simm.s32 @p2 $0x1  }
0x17: {  	s4 =	simm.s32 $0x1BF5;
	[smem:$0x3FBB] =	sst s0  }
0x18: {  	s0 =	sld [smem:$0x3F9E];
	_ =	swait.ge [sflag:s4], $0x0  }
0x19: {  	s7 =	sld [smem:$0x3F9F]  }
0x1a: {  	s8 =	sadd.s32 $0xFFFFE003, lr  }
0x1b: {  	s9 =	sadd.s32 $0xFFFFFEF7, lr;
	s5 =	simm.s32 $0xFFFFFFFF;
	p2 =	slt.u32 s8, $0xFFFFF086  }
0x1c: {  	p1 =	slt.u32 s9, $0xF7A;
	s5 =	simm.s32 @!p2 $0x0  }
0x1d: {  	s5 =	simm.s32 @p1 $0x1;
	p0 =	seq.s32 s7, s2  }
0x1e: {  	s7 =	smul.u32 @!p0 $0xF7A, s2;
	p2 =	seq.s32 @!p0 s5, $0x0  }
0x1f: {  	s9 =	smul.u32 $0xF7A, s1;
	s8 =	simm.s32 @!p0 $0x1BF5;
	p2 =	por !p2, p0  }
0x20: {  	[sflag:s8] =	ssyncset.s32 @!p0 $0xFFFFF086;
	s6 =	sadd.s32 @!p0 s3, s7;
	s7 =	simm.s32 @!p0 $0x108  }
0x21: {  	s3 =	sadd.s32 s3, s9;
	s6 =	sadd.s32 @!p0 $0x88, s6;
	s7 =	simm.s32 @p2 $0x1082  }
0x22: {  	[simem:s7], [sflag:s8] =	dma.local @!p0 [hbm:s6], $0xF7A  }
0x23: {  	s9 =	sor.u32 $0xD0000000, s2;
	s6 =	simm.s32 $0x108;
	_ =	swait.ge @!p0 [sflag:s8], $0x0  }
0x24: {  	s3 =	sadd.s32 $0x88, s3;
	s6 =	simm.s32 @!p1 $0x1082;
	[sflag:s4] =	ssyncset.s32 $0xFFFFF086  }
0x25: {  	[simem:s6], [sflag:s4] =	dma.local [hbm:s3], $0xF7A  }
0x26: {  	[smem:$0x3F9F] =	sst s1;
	(tag) =	ssettag s2;
	_ =	strace s9  }
0x27: {  	s1 =	sld [smem:$0x3FAF]  }
0x28: {  	s2 =	sld [smem:$0x3FB0]  }
0x29: {  	s4 =	sld [smem:$0x3FB2]  }
0x2a: {  	p0 =	seq.s32 s5, $0x0;
	s5 =	sld [smem:$0x3FB3]  }
0x2b: {  	s6 =	sld [smem:$0x3FB4]  }
0x2c: {  	s7 =	sld [smem:$0x3FB5]  }
0x2d: {  	s3 =	simm.s32 $0x108;
	s8 =	sld [smem:$0x3FB6]  }
0x2e: {  	s3 =	simm.s32 @!p0 $0x1082;
	s9 =	sld [smem:$0x3FB7]  }
0x2f: {  	lr =	sadd.s32 s0, s3;
	s0 =	sld [smem:$0x3FAE]  }
0x30: {  	s3 =	sld [smem:$0x3FB1]  }
0x31: {  	[smem:$0x3FBA] =	sst s10  }
0x32: {  	s10 =	sld [smem:$0x3FB8];
	_ =	sdelay $0x3  }
0x33: {  	p0 =	seq.s32 s10, $0x1;
	s10 =	sld [smem:$0x3FBA];
	_ =	sdelay $0x3  }
0x34: {  	[smem:$0x3FBA] =	sst s10  }
0x35: {  	s10 =	sld [smem:$0x3FB9];
	_ =	sdelay $0x3  }
0x36: {  	p1 =	seq.s32 s10, $0x1;
	s10 =	sld [smem:$0x3FBA];
	_ =	sdelay $0x3  }
0x37: {  	[smem:$0x3FBA] =	sst s10  }
0x38: {  	s10 =	sld [smem:$0x3FBB]  }
0x39: {  	_ = 	snop;
	(pc) =	sbr.ind lr, $3  }
0x3a: {  	_ = 	snop  }
0x3b: {  	_ = 	snop  }
0x3c: {  	p2 =	seq.s32 s10, $0x1;
	s10 =	sld [smem:$0x3FBA]  }
0x3d: {  	_ =	shalt  }
0x3e: {  	_ =	shalt  }
0x3f: {  	_ =	shalt  }
0x40: {  	_ =	shalt  }
0x41: {  	_ =	shalt  }
0x42: {  	_ =	shalt  }
0x43: {  	_ =	shalt  }
0x44: {  	_ =	shalt  }
0x45: {  	_ =	shalt  }
0x46: {  	_ =	shalt  }
0x47: {  	_ =	shalt  }
0x48: {  	_ =	shalt  }
0x49: {  	_ =	shalt  }
0x4a: {  	_ =	shalt  }
0x4b: {  	_ =	shalt  }
0x4c: {  	_ =	shalt  }
0x4d: {  	_ =	shalt  }
0x4e: {  	_ =	shalt  }
0x4f: {  	_ =	shalt  }
0x50: {  	_ =	shalt  }
0x51: {  	_ =	shalt  }
0x52: {  	_ =	shalt  }
0x53: {  	_ =	shalt  }
0x54: {  	_ =	shalt  }
0x55: {  	_ =	shalt  }
0x56: {  	_ =	shalt  }
0x57: {  	_ =	shalt  }
0x58: {  	_ =	shalt  }
0x59: {  	_ =	shalt  }
0x5a: {  	_ =	shalt  }
0x5b: {  	_ =	shalt  }
0x5c: {  	_ =	shalt  }
0x5d: {  	_ =	shalt  }
0x5e: {  	_ =	shalt  }
0x5f: {  	_ =	shalt  }
0x60: {  	_ =	shalt  }
0x61: {  	_ =	shalt  }
0x62: {  	_ =	shalt  }
0x63: {  	_ =	shalt  }
0x64: {  	_ =	shalt  }
0x65: {  	_ =	shalt  }
0x66: {  	_ =	shalt  }
0x67: {  	_ =	shalt  }
0x68: {  	_ =	shalt  }
0x69: {  	_ =	shalt  }
0x6a: {  	_ =	shalt  }
0x6b: {  	_ =	shalt  }
0x6c: {  	_ =	shalt  }
0x6d: {  	_ =	shalt  }
0x6e: {  	_ =	shalt  }
0x6f: {  	_ =	shalt  }
0x70: {  	_ =	shalt  }
0x71: {  	_ =	shalt  }
0x72: {  	_ =	shalt  }
0x73: {  	_ =	shalt  }
0x74: {  	_ =	shalt  }
0x75: {  	_ =	shalt  }
0x76: {  	_ =	shalt  }
0x77: {  	_ =	shalt  }
0x78: {  	_ =	shalt  }
0x79: {  	_ =	shalt  }
0x7a: {  	_ =	shalt  }
0x7b: {  	_ =	shalt  }
0x7c: {  	_ =	shalt  }
0x7d: {  	_ =	shalt  }
0x7e: {  	_ =	shalt  }
0x7f: {  	_ =	shalt  }
0x80: {  	_ =	shalt  }
0x81: {  	_ =	shalt  }
0x82: {  	_ =	shalt  }
0x83: {  	_ =	shalt  }
0x84: {  	_ =	shalt  }
0x85: {  	_ =	shalt  }
0x86: {  	_ =	shalt  }
0x87: {  	_ =	shalt  }
.Lfunc_end0:
.L_simem_size_0:
called_computation_lowered:
.L_overlay_start_0:
0x88: {  	s2 =	sld [smem:$0x3FD9]  }
0x89: {  	s3 =	sld [smem:$0x3FFE];
	_ =	sdelay $0x1  }
0x8a: {  	s1 =	srdreg.scid  }
0x8b: {  	s0 =	sand.u32 $0x1, s1  }
0x8c: {  	s18 =	sshll.u32 s0, $0xA;
	s2 =	sadd.s32 s3, s2  }
0x8d: {  	s2 =	sadd.s32 s2, s18  }
0x8e: {  	[smem:$0x3FC6] =	sst s2  }
0x8f: {  	_ = 	snop  }
0x90: {  	s2 =	sld [smem:$0x3FC9]  }
0x91: {  	s19 =	sld [smem:$0x3FC8]  }
0x92: {  	s4 =	sld [smem:$0x3FD0];
	(tm) =	ssettm $0x1  }
0x93: {  	s5 =	sld [smem:$0x3FFB];
	_ =	sdelay $0x3  }
0x94: {  	_ =	strace s5  }
0x95: {  	s5 =	sld [smem:$0x3FFC];
	_ =	sdelay $0x3  }
0x96: {  	_ =	strace s5  }
0x97: {  	s5 =	sld [smem:$0x3FFD];
	_ =	sdelay $0x3  }
0x98: {  	_ =	strace s5  }
0x99: {  	_ =	strace $0x8FFFFFFF  }
0x9a: {  	s20 =	sld [smem:$0x3FDB];
	_ =	sdelay $0x1  }
0x9b: {  	s6 =	simm.s32 $_scs_section_size  }
0x9c: {  	s7 =	simm.s32 $_size__tile_overlayer_lowered;
	s8 =	simm.s32 $_tile_overlayer_lowered  }
0x9d: {  	s23 =	simm.s32 $0x1BFF;
	s22 =	sshll.u32 s8, $0x1;
	s5 =	sadd.s32 s6, s20  }
0x9e: {  	s9 =	simm.s32 $0x0;
	s21 =	sshll.u32 s7, $0x1;
	s7 =	sadd.s32 s22, s5  }
0x9f: {  	[timem:s9], [sflag:s23] =	dma.local [hbm:s7], s21  }
0xa0: {  	_ =	swait.ge [sflag:s23], s21  }
0xa1: {  	s6 =	ssub.s32 $0x0, s21;
	[sflag:s23] =	ssyncset.done $0x0  }
0xa2: {  	[sflag:s23] =	ssyncadd.s32 s6;
	_ =	sdelay $0x1  }
0xa3: {  	s24 =	simm.s32 $0x1B8B  }
0xa4: {  	_ =	swait.ge [sflag:s24], $0x1  }
0xa5: {  	[sflag:s24] =	ssyncset.done $0x0  }
0xa6: {  	s25 =	simm.s32 $0x1B8E;
	[sflag:s24] =	ssyncadd.s32 $0xFFFFFFFF  }
0xa7: {  	s26 =	simm.s32 $execute0_lowered;
	[smem:$0x3FD2] =	sst s25  }
0xa8: {  	s6 =	sshll.u32 s26, $0x1;
	_ =	strace $0x80000046;
	[dreg:$0x1] =	wrdreg $0xFFFFFFFF  }
0xa9: {  	s28 =	simm.s32 $_size_execute0_lowered;
	s5 =	sadd.s32 s5, s6;
	[dreg:$0x0] =	wrdreg $0x0  }
0xaa: {  	s6 =	sshll.u32 s28, $0x1;
	[dreg:$0x2] =	wrdreg s5  }
0xab: {  	[dreg:$0x3] =	wrdreg s6  }
0xac: {  	[dreg:$0x4] =	wrdreg $0xC0  }
0xad: {  	_ =	task [dreg:s9], $0x5FFFF  }
0xae: {  	[dreg:$0x1] =	wrdreg $0xFFFFFFFF  }
0xaf: {  	[dreg:$0x0] =	wrdreg $0x60  }
0xb0: {  	[dreg:$0x2] =	wrdreg s2  }
0xb1: {  	[dreg:$0x3] =	wrdreg s19  }
0xb2: {  	[dreg:$0x4] =	wrdreg s4  }
0xb3: {  	[dreg:$0x5] =	wrdreg $0x9  }
0xb4: {  	_ =	task.clear_ibuf [dreg:s9], $0x6FFFF;
	_ =	strace $0x90000046  }
0xb5: {  	s29 =	simm.s32 $0x9;
	_ =	strace $0x80000048  }
0xb6: {  	_ =	swait.ge [sflag:s29], $0x1  }
0xb7: {  	[sflag:s29] =	ssyncadd.s32 $0xFFFFFFFF  }
0xb8: {  	_ =	strace $0x90000048  }
0xb9: {  	_ =	sfence  }
0xba: {  	s30 =	sld [smem:$0x0];
	_ =	sdelay $0x2  }
0xbb: {  	s31 =	sshll.u32 s1, $0xD;
	s1 =	sshrl.u32 s1, $0x2  }
0xbc: {  	s3 =	sand.u32 $0x4000, s31;
	s1 =	sadd.s32 s1, s30  }
0xbd: {  	s0 =	sor.u32 s3, s0;
	s1 =	sshll.u32 s1, $0x11  }
0xbe: {  	s0 =	sor.u32 s1, s0  }
0xbf: {  	s0 =	sadd.s32 $0x8F2B, s0  }
0xc0: {  	[sflag:s0] =	ssyncadd.remote.s32 $0x1  }
0xc1: {  	_ =	sfence.sel $0xFFFF  }
0xc2: {  	[dreg:$0x0] =	wrdreg $0xFFFFFFFF;
	(pc) =	sbr.abs _section_cstart, $3  }
0xc3: {  	[dreg:$0x1] =	wrdreg $0xFFFFFFFF  }
0xc4: {  	_ =	task.clear_ibuf [dreg:s9], $0x2FFFF;
	_ =	strace $0x9FFFFFFF  }
0xc5: {  	(tm) =	ssettm $0x7FFFFFFF  }
tec
execute0_lowered:
.L_overlay_start_1:
0x0: {  	(tag) =	ssettag $0x1  }
0x1: {  	s1 =	rddreg [dreg:$0x0]  }
0x2: {  	s9 =	rddreg [dreg:$0x1]  }
0x3: {  	s10 =	rddreg [dreg:$0x2]  }
0x4: {  	s0 =	rddreg [dreg:$0x3];
	s3 =	simm.s32 $0x0  }
0x5: {  	s4 =	srdreg.scid;
	s2 =	stileid.u32;
	s19 =	simm.s32 $0x1  }
0x6: {  	s20 =	simm.s32 $0x3;
	s21 =	simm.s32 $0x0;
	[smem:$0x7FF] =	sst s3  }
0x7: {  	s4 =	sand.u32 $0x1, s4;
	s5 =	sshll.u32 s2, $0x9;
	s6 =	sshrl.u32 s2, $0x1  }
0x8: {  	s30 =	sadd.s32 $0x1000, s10;
	s15 =	sadd.s32 $0x2000, s10;
	s17 =	sadd.s32 $0x3000, s10  }
0x9: {  	s7 =	sshll.u32 s4, $0x8;
	s5 =	sand.u32 $0x200, s5;
	s8 =	smul.u32 $0xC3800, s6  }
0xa: {  	_ =	strace $0x80000047;
	s4 =	ssub.s32 $0x2, s4;
	s7 =	sor.u32 s7, s5  }
0xb: {  	s11 =	sshll.u32 s6, $0x11;
	s12 =	sshrl.u32 s4, $0x1;
	s5 =	sor.u32 s8, s7  }
0xc: {  	s6 =	sor.u32 s11, s7;
	s14 =	ssub.s32 s4, s12;
	s16 =	sor.u32 $0x80, s7  }
0xd: {  	s5 =	sshrl.u32 s5, $0x3;
	s13 =	sshrl.u32 s6, $0x3;
	s8 =	sor.u32 s8, s16  }
0xe: {  	s11 =	sor.u32 s11, s16;
	s14 =	smax.u32 s14, $0x1;
	s16 =	simm.s32 $0x400  }
0xf: {  	s4 =	sadd.s32 s9, s5;
	s5 =	sadd.s32 s10, s13;
	s6 =	sadd.s32 s13, s30  }
0x10: {  	s7 =	sadd.s32 s13, s15;
	s18 =	sshrl.u32 s8, $0x3;
	s31 =	sshrl.u32 s11, $0x3  }
0x11: {  	s8 =	sadd.s32 s13, s17;
	s9 =	sadd.s32 s9, s18;
	s10 =	sadd.s32 s10, s31  }
0x12: {  	s11 =	sadd.s32 s31, s30;
	s12 =	sadd.s32 s31, s15;
	s13 =	sadd.s32 s31, s17  }
0x13: {  	s15 =	simm.s32 $0x80;
	s17 =	simm.s32 $0x4000;
	s18 =	simm.s32 $0x2  }
.LBB2_1:
0x14: {  	[tilespmem:s17], [sflag:$0x1] =	stream.strided.gather [hbm4b:s4+s15], $0x18700, s16, s15, $0x38;
	[tilespmem:$0x1E700] =	vst v63  }
0x15: {  	_ = 	snop  }
0x16: {  	[tilespmem:s3], [sflag:$0x2] =	stream.linear.gather [hbm4b:s1+s3], $0x4000, $0x38;
	[tilespmem:$0x1E700] =	vst v63  }
0x17: {  	_ =	swait.ge [sflag:s18], $0x4000  }
0x18: {  	[sflag:s18] =	ssyncset.done $0x0  }
0x19: {  	[sflag:s18] =	ssyncadd.s32 $0xFFFFC000  }
0x1a: {  	_ =	swait.ge [sflag:s19], $0x18700  }
0x1b: {  	s22 =	simm.s32 $0x0;
	[sflag:s19] =	ssyncset.done $0x0  }
0x1c: {  	s23 =	simm.s32 $0x0;
	s24 =	simm.s32 $0x0;
	[sflag:s19] =	ssyncadd.s32 $0xFFFE7900  }
.LBB2_2:
0x1d: {  	v0 =	vld [tilespmem:s22+$0x0];
	_ =	sdelay $0x4  }
0x1e: {  	v0 =	vadd.s32 $0x1, v0;
	_ =	sdelay $0x4  }
0x1f: {  	v0 =	vld.idx.msk [tilespmem:v0+s17+$0x0], $0xffff;
	_ =	sdelay $0x1  }
0x20: {  	s25 =	sand.u32 $0x1F00, s23  }
0x21: {  	s26 =	sand.u32 $0x40, s24;
	s25 =	sadd.s32 $0x1C700, s25  }
0x22: {  	s30 =	sand.u32 $0xF80, s24;
	s29 =	sor.u32 $0x10, s26;
	s28 =	sor.u32 s26, s25  }
0x23: {  	s31 =	sor.u32 s29, s30;
	[tilespmem:s28+$0x0] =	vst v0  }
0x24: {  	v0 =	vld [tilespmem:s31+$0x0];
	_ =	sdelay $0x4  }
0x25: {  	v0 =	vadd.s32 $0x1, v0;
	_ =	sdelay $0x4  }
0x26: {  	v0 =	vld.idx.msk [tilespmem:v0+s17+$0x0], $0xffff;
	_ =	sdelay $0x3  }
0x27: {  	s31 =	sor.u32 s29, s25;
	s29 =	sor.u32 $0x20, s26  }
0x28: {  	[tilespmem:s31+$0x0] =	vst v0;
	s31 =	sor.u32 s29, s30  }
0x29: {  	v0 =	vld [tilespmem:s31+$0x0];
	_ =	sdelay $0x4  }
0x2a: {  	v0 =	vadd.s32 $0x1, v0;
	_ =	sdelay $0x4  }
0x2b: {  	v0 =	vld.idx.msk [tilespmem:v0+s17+$0x0], $0xffff;
	_ =	sdelay $0x3  }
0x2c: {  	s26 =	sor.u32 $0x30, s26;
	s29 =	sor.u32 s29, s25  }
0x2d: {  	s31 =	sor.u32 s26, s30;
	[tilespmem:s29+$0x0] =	vst v0  }
0x2e: {  	v0 =	vld [tilespmem:s31+$0x0];
	_ =	sdelay $0x4  }
0x2f: {  	v0 =	vadd.s32 $0x1, v0;
	_ =	sdelay $0x4  }
0x30: {  	p0 =	sne.s32 s24, $0xFC0;
	v0 =	vld.idx.msk [tilespmem:v0+s17+$0x0], $0xffff  }
.Ltmp0:
0x31: {  	_ = 	snop;
	(pc) =	sbr.rel @p0 .LBB2_2-.Ltmp0, $3  }
0x32: {  	_ =	sdelay $0x1  }
0x33: {  	s25 =	sor.u32 s26, s25  }
0x34: {  	s23 =	sadd.s32 $0x80, s23;
	s22 =	sadd.s32 $0x40, s22;
	s24 =	sadd.s32 $0x40, s24;
	[tilespmem:s25+$0x0] =	vst v0  }
0x35: {  	s22 =	simm.s32 $0x0;
	s23 =	simm.s32 $0x1C700;
	s24 =	simm.s32 $0x0  }
.LBB2_4:
0x36: {  	p0 =	sne.s32 s24, $0xF80  }
.Ltmp1:
0x37: {  	_ = 	snop;
	(pc) =	sbr.rel @p0 .LBB2_4-.Ltmp1, $4  }
0x38: {  	_ = 	snop  }
0x39: {  	s25 =	sadd.s32 s24, s5  }
0x3a: {  	[hbm4b:s25+s22] =	stream.linear.scatter [tilespmem:s23], [sflag:$0x3], $0x80, $0x38;
	[tilespmem:$0x1E700] =	vst v63  }
0x3b: {  	s24 =	sadd.s32 $0x80, s24;
	s23 =	sadd.s32 $0x100, s23  }
0x3c: {  	p0 =	por $0x0, $0x0;
	s23 =	simm.s32 $0x1030;
	s24 =	simm.s32 $0x0  }
.LBB2_6:
0x3d: {  	s25 =	sand.u32 $0xFC0, s24  }
0x3e: {  	v0 =	vld [tilespmem:s25+$0x1000];
	_ =	sdelay $0x4  }
0x3f: {  	v0 =	vadd.s32 $0x1, v0;
	_ =	sdelay $0x4  }
0x40: {  	s25 =	simm.s32 $0x1;
	v0 =	vld.idx.msk [tilespmem:v0+s17+$0x0], $0xffff  }
0x41: {  	s25 =	simm.s32 @!p0 $0x0  }
0x42: {  	s25 =	sshll.u32 s25, $0x6  }
0x43: {  	s25 =	sadd.s32 s25, s22  }
0x44: {  	s26 =	sor.u32 $0x80, s25  }
0x45: {  	[tilespmem:s26+$0x1C700] =	vst v0  }
0x46: {  	v0 =	vld [tilespmem:s23+$0xFFFFFFE0];
	_ =	sdelay $0x4  }
0x47: {  	v0 =	vadd.s32 $0x1, v0;
	_ =	sdelay $0x4  }
0x48: {  	v0 =	vld.idx.msk [tilespmem:v0+s17+$0x0], $0xffff;
	_ =	sdelay $0x3  }
0x49: {  	s30 =	sor.u32 $0x90, s25  }
0x4a: {  	[tilespmem:s30+$0x1C700] =	vst v0  }
0x4b: {  	v0 =	vld [tilespmem:s23+$0xFFFFFFF0];
	_ =	sdelay $0x4  }
0x4c: {  	v0 =	vadd.s32 $0x1, v0;
	_ =	sdelay $0x4  }
0x4d: {  	v0 =	vld.idx.msk [tilespmem:v0+s17+$0x0], $0xffff;
	_ =	sdelay $0x3  }
0x4e: {  	s31 =	sor.u32 $0xA0, s25  }
0x4f: {  	[tilespmem:s31+$0x1C700] =	vst v0  }
0x50: {  	v0 =	vld [tilespmem:s23+$0x0];
	_ =	sdelay $0x4  }
0x51: {  	v0 =	vadd.s32 $0x1, v0;
	_ =	sdelay $0x4  }
0x52: {  	p1 =	sne.s32 s24, $0xFC0;
	v0 =	vld.idx.msk [tilespmem:v0+s17+$0x0], $0xffff  }
.Ltmp2:
0x53: {  	_ = 	snop;
	(pc) =	sbr.rel @p1 .LBB2_6-.Ltmp2, $3  }
0x54: {  	_ =	sdelay $0x1  }
0x55: {  	s24 =	sadd.s32 $0x40, s24;
	s25 =	sor.u32 $0xB0, s25  }
0x56: {  	p0 =	por !p0, !p0;
	s22 =	sadd.s32 $0x80, s22;
	s23 =	sadd.s32 $0x40, s23;
	[tilespmem:s25+$0x1C700] =	vst v0  }
0x57: {  	s22 =	simm.s32 $0x1C780  }
0x58: {  	s23 =	simm.s32 $0x80;
	s25 =	sadd.s32 $0x0, s6;
	s24 =	simm.s32 $0x1C880  }
.LBB2_8:
0x59: {  	[hbm4b:s25+s3] =	stream.linear.scatter [tilespmem:s22], [sflag:$0x3], $0x80, $0x38;
	[tilespmem:$0x1E700] =	vst v63  }
0x5a: {  	s25 =	smov.u32 s23;
	s22 =	smov.u32 s24;
	p0 =	sne.s32 s23, $0xF80  }
.Ltmp3:
0x5b: {  	s23 =	sadd.s32 $0x80, s23;
	(pc) =	sbr.rel @p0 .LBB2_8-.Ltmp3, $2  }
0x5c: {  	_ =	sdelay $0x2  }
0x5d: {  	s24 =	sadd.s32 $0x100, s24;
	s25 =	sadd.s32 s25, s6  }
0x5e: {  	[hbm4b:s25+s3] =	stream.linear.scatter [tilespmem:s22], [sflag:$0x3], $0x80, $0x38;
	[tilespmem:$0x1E700] =	vst v63  }
0x5f: {  	_ =	swait.ge [sflag:s20], $0x1000  }
0x60: {  	s22 =	simm.s32 $0x0;
	[sflag:s20] =	ssyncset.done $0x0  }
0x61: {  	s23 =	simm.s32 $0x2030;
	s24 =	simm.s32 $0x0;
	[sflag:s20] =	ssyncadd.s32 $0xFFFFF000  }
.LBB2_10:
0x62: {  	s25 =	sand.u32 $0xFC0, s24  }
0x63: {  	v0 =	vld [tilespmem:s25+$0x2000];
	_ =	sdelay $0x4  }
0x64: {  	v0 =	vadd.s32 $0x1, v0;
	_ =	sdelay $0x4  }
0x65: {  	v0 =	vld.idx.msk [tilespmem:v0+s17+$0x0], $0xffff;
	_ =	sdelay $0x2  }
0x66: {  	s31 =	sand.u32 $0x40, s24;
	s26 =	sand.u32 $0x1F00, s22  }
0x67: {  	s25 =	sor.u32 s31, s26  }
0x68: {  	[tilespmem:s25+$0x1C700] =	vst v0  }
0x69: {  	v0 =	vld [tilespmem:s23+$0xFFFFFFE0];
	_ =	sdelay $0x4  }
0x6a: {  	v0 =	vadd.s32 $0x1, v0;
	_ =	sdelay $0x4  }
0x6b: {  	v0 =	vld.idx.msk [tilespmem:v0+s17+$0x0], $0xffff;
	_ =	sdelay $0x3  }
0x6c: {  	s25 =	sadd.s32 $0x1C700, s25  }
0x6d: {  	[tilespmem:s25+$0x10] =	vst v0  }
0x6e: {  	v0 =	vld [tilespmem:s23+$0xFFFFFFF0];
	_ =	sdelay $0x4  }
0x6f: {  	v0 =	vadd.s32 $0x1, v0;
	_ =	sdelay $0x4  }
0x70: {  	v0 =	vld.idx.msk [tilespmem:v0+s17+$0x0], $0xffff;
	_ =	sdelay $0x4  }
0x71: {  	[tilespmem:s25+$0x20] =	vst v0  }
0x72: {  	v0 =	vld [tilespmem:s23+$0x0];
	_ =	sdelay $0x4  }
0x73: {  	v0 =	vadd.s32 $0x1, v0;
	_ =	sdelay $0x4  }
0x74: {  	p0 =	sne.s32 s24, $0xFC0;
	v0 =	vld.idx.msk [tilespmem:v0+s17+$0x0], $0xffff  }
.Ltmp4:
0x75: {  	_ = 	snop;
	(pc) =	sbr.rel @p0 .LBB2_10-.Ltmp4, $2  }
0x76: {  	_ =	sdelay $0x2  }
0x77: {  	s22 =	sadd.s32 $0x80, s22;
	s24 =	sadd.s32 $0x40, s24;
	s23 =	sadd.s32 $0x40, s23;
	[tilespmem:s25+$0x30] =	vst v0  }
0x78: {  	s22 =	simm.s32 $0x1C700  }
0x79: {  	s23 =	simm.s32 $0x80;
	s25 =	sadd.s32 $0x0, s7;
	s24 =	simm.s32 $0x1C800  }
.LBB2_12:
0x7a: {  	[hbm4b:s25+s3] =	stream.linear.scatter [tilespmem:s22], [sflag:$0x3], $0x80, $0x38;
	[tilespmem:$0x1E700] =	vst v63  }
0x7b: {  	s25 =	smov.u32 s23;
	s22 =	smov.u32 s24;
	p0 =	sne.s32 s23, $0xF80  }
.Ltmp5:
0x7c: {  	s23 =	sadd.s32 $0x80, s23;
	(pc) =	sbr.rel @p0 .LBB2_12-.Ltmp5, $2  }
0x7d: {  	_ =	sdelay $0x2  }
0x7e: {  	s24 =	sadd.s32 $0x100, s24;
	s25 =	sadd.s32 s25, s7  }
0x7f: {  	[hbm4b:s25+s3] =	stream.linear.scatter [tilespmem:s22], [sflag:$0x3], $0x80, $0x38;
	[tilespmem:$0x1E700] =	vst v63  }
0x80: {  	_ =	swait.ge [sflag:s20], $0x1000  }
0x81: {  	s22 =	simm.s32 $0x0;
	p0 =	por $0x0, $0x0;
	[sflag:s20] =	ssyncset.done $0x0  }
0x82: {  	s23 =	simm.s32 $0x3030;
	s24 =	simm.s32 $0x0;
	[sflag:s20] =	ssyncadd.s32 $0xFFFFF000  }
.LBB2_14:
0x83: {  	s25 =	sand.u32 $0xFC0, s24  }
0x84: {  	v0 =	vld [tilespmem:s25+$0x3000];
	_ =	sdelay $0x4  }
0x85: {  	v0 =	vadd.s32 $0x1, v0;
	_ =	sdelay $0x4  }
0x86: {  	s25 =	simm.s32 $0x1;
	v0 =	vld.idx.msk [tilespmem:v0+s17+$0x0], $0xffff  }
0x87: {  	s25 =	simm.s32 @!p0 $0x0  }
0x88: {  	s25 =	sshll.u32 s25, $0x6  }
0x89: {  	s25 =	sadd.s32 s25, s22  }
0x8a: {  	s26 =	sor.u32 $0x80, s25  }
0x8b: {  	[tilespmem:s26+$0x1C700] =	vst v0  }
0x8c: {  	v0 =	vld [tilespmem:s23+$0xFFFFFFE0];
	_ =	sdelay $0x4  }
0x8d: {  	v0 =	vadd.s32 $0x1, v0;
	_ =	sdelay $0x4  }
0x8e: {  	v0 =	vld.idx.msk [tilespmem:v0+s17+$0x0], $0xffff;
	_ =	sdelay $0x3  }
0x8f: {  	s30 =	sor.u32 $0x90, s25  }
0x90: {  	[tilespmem:s30+$0x1C700] =	vst v0  }
0x91: {  	v0 =	vld [tilespmem:s23+$0xFFFFFFF0];
	_ =	sdelay $0x4  }
0x92: {  	v0 =	vadd.s32 $0x1, v0;
	_ =	sdelay $0x4  }
0x93: {  	v0 =	vld.idx.msk [tilespmem:v0+s17+$0x0], $0xffff;
	_ =	sdelay $0x3  }
0x94: {  	s31 =	sor.u32 $0xA0, s25  }
0x95: {  	[tilespmem:s31+$0x1C700] =	vst v0  }
0x96: {  	v0 =	vld [tilespmem:s23+$0x0];
	_ =	sdelay $0x4  }
0x97: {  	v0 =	vadd.s32 $0x1, v0;
	_ =	sdelay $0x4  }
0x98: {  	p1 =	sne.s32 s24, $0xFC0;
	v0 =	vld.idx.msk [tilespmem:v0+s17+$0x0], $0xffff  }
.Ltmp6:
0x99: {  	_ = 	snop;
	(pc) =	sbr.rel @p1 .LBB2_14-.Ltmp6, $3  }
0x9a: {  	_ =	sdelay $0x1  }
0x9b: {  	s24 =	sadd.s32 $0x40, s24;
	s25 =	sor.u32 $0xB0, s25  }
0x9c: {  	p0 =	por !p0, !p0;
	s22 =	sadd.s32 $0x80, s22;
	s23 =	sadd.s32 $0x40, s23;
	[tilespmem:s25+$0x1C700] =	vst v0  }
0x9d: {  	s22 =	simm.s32 $0x1C780  }
0x9e: {  	s23 =	simm.s32 $0x80;
	s25 =	sadd.s32 $0x0, s8;
	s24 =	simm.s32 $0x1C880  }
.LBB2_16:
0x9f: {  	[hbm4b:s25+s3] =	stream.linear.scatter [tilespmem:s22], [sflag:$0x3], $0x80, $0x38;
	[tilespmem:$0x1E700] =	vst v63  }
0xa0: {  	s25 =	smov.u32 s23;
	s22 =	smov.u32 s24;
	p0 =	sne.s32 s23, $0xF80  }
.Ltmp7:
0xa1: {  	s23 =	sadd.s32 $0x80, s23;
	(pc) =	sbr.rel @p0 .LBB2_16-.Ltmp7, $2  }
0xa2: {  	_ =	sdelay $0x2  }
0xa3: {  	s24 =	sadd.s32 $0x100, s24;
	s25 =	sadd.s32 s25, s8  }
0xa4: {  	[hbm4b:s25+s3] =	stream.linear.scatter [tilespmem:s22], [sflag:$0x3], $0x80, $0x38;
	[tilespmem:$0x1E700] =	vst v63  }
0xa5: {  	_ = 	snop  }
0xa6: {  	[tilespmem:s17], [sflag:$0x1] =	stream.strided.gather [hbm4b:s9+s15], $0x18700, s16, s15, $0x38;
	[tilespmem:$0x1E700] =	vst v63  }
0xa7: {  	_ =	swait.ge [sflag:s20], $0x1000  }
0xa8: {  	[sflag:s20] =	ssyncset.done $0x0  }
0xa9: {  	[sflag:s20] =	ssyncadd.s32 $0xFFFFF000  }
0xaa: {  	_ =	swait.ge [sflag:s20], $0x1000  }
0xab: {  	[sflag:s20] =	ssyncset.done $0x0  }
0xac: {  	[sflag:s20] =	ssyncadd.s32 $0xFFFFF000  }
0xad: {  	_ =	swait.ge [sflag:s19], $0x18700  }
0xae: {  	s22 =	simm.s32 $0x0;
	[sflag:s19] =	ssyncset.done $0x0  }
0xaf: {  	s23 =	simm.s32 $0x0;
	s24 =	simm.s32 $0x0;
	[sflag:s19] =	ssyncadd.s32 $0xFFFE7900  }
.LBB2_18:
0xb0: {  	v0 =	vld [tilespmem:s22+$0x0];
	_ =	sdelay $0x4  }
0xb1: {  	v0 =	vadd.s32 $0x1, v0;
	_ =	sdelay $0x4  }
0xb2: {  	v0 =	vld.idx.msk [tilespmem:v0+s17+$0x0], $0xffff;
	_ =	sdelay $0x1  }
0xb3: {  	s25 =	sand.u32 $0x1F00, s23  }
0xb4: {  	s26 =	sand.u32 $0x40, s24;
	s25 =	sadd.s32 $0x1C700, s25  }
0xb5: {  	s30 =	sand.u32 $0xF80, s24;
	s29 =	sor.u32 $0x10, s26;
	s28 =	sor.u32 s26, s25  }
0xb6: {  	s31 =	sor.u32 s29, s30;
	[tilespmem:s28+$0x0] =	vst v0  }
0xb7: {  	v0 =	vld [tilespmem:s31+$0x0];
	_ =	sdelay $0x4  }
0xb8: {  	v0 =	vadd.s32 $0x1, v0;
	_ =	sdelay $0x4  }
0xb9: {  	v0 =	vld.idx.msk [tilespmem:v0+s17+$0x0], $0xffff;
	_ =	sdelay $0x3  }
0xba: {  	s31 =	sor.u32 s29, s25;
	s29 =	sor.u32 $0x20, s26  }
0xbb: {  	[tilespmem:s31+$0x0] =	vst v0;
	s31 =	sor.u32 s29, s30  }
0xbc: {  	v0 =	vld [tilespmem:s31+$0x0];
	_ =	sdelay $0x4  }
0xbd: {  	v0 =	vadd.s32 $0x1, v0;
	_ =	sdelay $0x4  }
0xbe: {  	v0 =	vld.idx.msk [tilespmem:v0+s17+$0x0], $0xffff;
	_ =	sdelay $0x3  }
0xbf: {  	s26 =	sor.u32 $0x30, s26;
	s29 =	sor.u32 s29, s25  }
0xc0: {  	s31 =	sor.u32 s26, s30;
	[tilespmem:s29+$0x0] =	vst v0  }
0xc1: {  	v0 =	vld [tilespmem:s31+$0x0];
	_ =	sdelay $0x4  }
0xc2: {  	v0 =	vadd.s32 $0x1, v0;
	_ =	sdelay $0x4  }
0xc3: {  	p0 =	sne.s32 s24, $0xFC0;
	v0 =	vld.idx.msk [tilespmem:v0+s17+$0x0], $0xffff  }
.Ltmp8:
0xc4: {  	_ = 	snop;
	(pc) =	sbr.rel @p0 .LBB2_18-.Ltmp8, $3  }
0xc5: {  	_ =	sdelay $0x1  }
0xc6: {  	s25 =	sor.u32 s26, s25  }
0xc7: {  	s23 =	sadd.s32 $0x80, s23;
	s22 =	sadd.s32 $0x40, s22;
	s24 =	sadd.s32 $0x40, s24;
	[tilespmem:s25+$0x0] =	vst v0  }
0xc8: {  	s22 =	simm.s32 $0x0;
	s23 =	simm.s32 $0x1C700;
	s24 =	simm.s32 $0x0  }
.LBB2_20:
0xc9: {  	p0 =	sne.s32 s24, $0xF80  }
.Ltmp9:
0xca: {  	_ = 	snop;
	(pc) =	sbr.rel @p0 .LBB2_20-.Ltmp9, $4  }
0xcb: {  	_ = 	snop  }
0xcc: {  	s25 =	sadd.s32 s24, s10  }
0xcd: {  	[hbm4b:s25+s22] =	stream.linear.scatter [tilespmem:s23], [sflag:$0x3], $0x80, $0x38;
	[tilespmem:$0x1E700] =	vst v63  }
0xce: {  	s24 =	sadd.s32 $0x80, s24;
	s23 =	sadd.s32 $0x100, s23  }
0xcf: {  	p0 =	por $0x0, $0x0;
	s23 =	simm.s32 $0x1030;
	s24 =	simm.s32 $0x0  }
.LBB2_22:
0xd0: {  	s25 =	sand.u32 $0xFC0, s24  }
0xd1: {  	v0 =	vld [tilespmem:s25+$0x1000];
	_ =	sdelay $0x4  }
0xd2: {  	v0 =	vadd.s32 $0x1, v0;
	_ =	sdelay $0x4  }
0xd3: {  	s25 =	simm.s32 $0x1;
	v0 =	vld.idx.msk [tilespmem:v0+s17+$0x0], $0xffff  }
0xd4: {  	s25 =	simm.s32 @!p0 $0x0  }
0xd5: {  	s25 =	sshll.u32 s25, $0x6  }
0xd6: {  	s25 =	sadd.s32 s25, s22  }
0xd7: {  	s26 =	sor.u32 $0x80, s25  }
0xd8: {  	[tilespmem:s26+$0x1C700] =	vst v0  }
0xd9: {  	v0 =	vld [tilespmem:s23+$0xFFFFFFE0];
	_ =	sdelay $0x4  }
0xda: {  	v0 =	vadd.s32 $0x1, v0;
	_ =	sdelay $0x4  }
0xdb: {  	v0 =	vld.idx.msk [tilespmem:v0+s17+$0x0], $0xffff;
	_ =	sdelay $0x3  }
0xdc: {  	s30 =	sor.u32 $0x90, s25  }
0xdd: {  	[tilespmem:s30+$0x1C700] =	vst v0  }
0xde: {  	v0 =	vld [tilespmem:s23+$0xFFFFFFF0];
	_ =	sdelay $0x4  }
0xdf: {  	v0 =	vadd.s32 $0x1, v0;
	_ =	sdelay $0x4  }
0xe0: {  	v0 =	vld.idx.msk [tilespmem:v0+s17+$0x0], $0xffff;
	_ =	sdelay $0x3  }
0xe1: {  	s31 =	sor.u32 $0xA0, s25  }
0xe2: {  	[tilespmem:s31+$0x1C700] =	vst v0  }
0xe3: {  	v0 =	vld [tilespmem:s23+$0x0];
	_ =	sdelay $0x4  }
0xe4: {  	v0 =	vadd.s32 $0x1, v0;
	_ =	sdelay $0x4  }
0xe5: {  	p1 =	sne.s32 s24, $0xFC0;
	v0 =	vld.idx.msk [tilespmem:v0+s17+$0x0], $0xffff  }
.Ltmp10:
0xe6: {  	_ = 	snop;
	(pc) =	sbr.rel @p1 .LBB2_22-.Ltmp10, $3  }
0xe7: {  	_ =	sdelay $0x1  }
0xe8: {  	s24 =	sadd.s32 $0x40, s24;
	s25 =	sor.u32 $0xB0, s25  }
0xe9: {  	p0 =	por !p0, !p0;
	s22 =	sadd.s32 $0x80, s22;
	s23 =	sadd.s32 $0x40, s23;
	[tilespmem:s25+$0x1C700] =	vst v0  }
0xea: {  	s22 =	simm.s32 $0x1C780  }
0xeb: {  	s23 =	simm.s32 $0x80;
	s25 =	sadd.s32 $0x0, s11;
	s24 =	simm.s32 $0x1C880  }
.LBB2_24:
0xec: {  	[hbm4b:s25+s3] =	stream.linear.scatter [tilespmem:s22], [sflag:$0x3], $0x80, $0x38;
	[tilespmem:$0x1E700] =	vst v63  }
0xed: {  	s25 =	smov.u32 s23;
	s22 =	smov.u32 s24;
	p0 =	sne.s32 s23, $0xF80  }
.Ltmp11:
0xee: {  	s23 =	sadd.s32 $0x80, s23;
	(pc) =	sbr.rel @p0 .LBB2_24-.Ltmp11, $2  }
0xef: {  	_ =	sdelay $0x2  }
0xf0: {  	s24 =	sadd.s32 $0x100, s24;
	s25 =	sadd.s32 s25, s11  }
0xf1: {  	[hbm4b:s25+s3] =	stream.linear.scatter [tilespmem:s22], [sflag:$0x3], $0x80, $0x38;
	[tilespmem:$0x1E700] =	vst v63  }
0xf2: {  	_ =	swait.ge [sflag:s20], $0x1000  }
0xf3: {  	s22 =	simm.s32 $0x0;
	[sflag:s20] =	ssyncset.done $0x0  }
0xf4: {  	s23 =	simm.s32 $0x2030;
	s24 =	simm.s32 $0x0;
	[sflag:s20] =	ssyncadd.s32 $0xFFFFF000  }
.LBB2_26:
0xf5: {  	s25 =	sand.u32 $0xFC0, s24  }
0xf6: {  	v0 =	vld [tilespmem:s25+$0x2000];
	_ =	sdelay $0x4  }
0xf7: {  	v0 =	vadd.s32 $0x1, v0;
	_ =	sdelay $0x4  }
0xf8: {  	v0 =	vld.idx.msk [tilespmem:v0+s17+$0x0], $0xffff;
	_ =	sdelay $0x2  }
0xf9: {  	s31 =	sand.u32 $0x40, s24;
	s26 =	sand.u32 $0x1F00, s22  }
0xfa: {  	s25 =	sor.u32 s31, s26  }
0xfb: {  	[tilespmem:s25+$0x1C700] =	vst v0  }
0xfc: {  	v0 =	vld [tilespmem:s23+$0xFFFFFFE0];
	_ =	sdelay $0x4  }
0xfd: {  	v0 =	vadd.s32 $0x1, v0;
	_ =	sdelay $0x4  }
0xfe: {  	v0 =	vld.idx.msk [tilespmem:v0+s17+$0x0], $0xffff;
	_ =	sdelay $0x3  }
0xff: {  	s25 =	sadd.s32 $0x1C700, s25  }
0x100: {  	[tilespmem:s25+$0x10] =	vst v0  }
0x101: {  	v0 =	vld [tilespmem:s23+$0xFFFFFFF0];
	_ =	sdelay $0x4  }
0x102: {  	v0 =	vadd.s32 $0x1, v0;
	_ =	sdelay $0x4  }
0x103: {  	v0 =	vld.idx.msk [tilespmem:v0+s17+$0x0], $0xffff;
	_ =	sdelay $0x4  }
0x104: {  	[tilespmem:s25+$0x20] =	vst v0  }
0x105: {  	v0 =	vld [tilespmem:s23+$0x0];
	_ =	sdelay $0x4  }
0x106: {  	v0 =	vadd.s32 $0x1, v0;
	_ =	sdelay $0x4  }
0x107: {  	p0 =	sne.s32 s24, $0xFC0;
	v0 =	vld.idx.msk [tilespmem:v0+s17+$0x0], $0xffff  }
.Ltmp12:
0x108: {  	_ = 	snop;
	(pc) =	sbr.rel @p0 .LBB2_26-.Ltmp12, $2  }
0x109: {  	_ =	sdelay $0x2  }
0x10a: {  	s22 =	sadd.s32 $0x80, s22;
	s24 =	sadd.s32 $0x40, s24;
	s23 =	sadd.s32 $0x40, s23;
	[tilespmem:s25+$0x30] =	vst v0  }
0x10b: {  	s22 =	simm.s32 $0x1C700  }
0x10c: {  	s23 =	simm.s32 $0x80;
	s25 =	sadd.s32 $0x0, s12;
	s24 =	simm.s32 $0x1C800  }
.LBB2_28:
0x10d: {  	[hbm4b:s25+s3] =	stream.linear.scatter [tilespmem:s22], [sflag:$0x3], $0x80, $0x38;
	[tilespmem:$0x1E700] =	vst v63  }
0x10e: {  	s25 =	smov.u32 s23;
	s22 =	smov.u32 s24;
	p0 =	sne.s32 s23, $0xF80  }
.Ltmp13:
0x10f: {  	s23 =	sadd.s32 $0x80, s23;
	(pc) =	sbr.rel @p0 .LBB2_28-.Ltmp13, $2  }
0x110: {  	_ =	sdelay $0x2  }
0x111: {  	s24 =	sadd.s32 $0x100, s24;
	s25 =	sadd.s32 s25, s12  }
0x112: {  	[hbm4b:s25+s3] =	stream.linear.scatter [tilespmem:s22], [sflag:$0x3], $0x80, $0x38;
	[tilespmem:$0x1E700] =	vst v63  }
0x113: {  	_ =	swait.ge [sflag:s20], $0x1000  }
0x114: {  	s22 =	simm.s32 $0x0;
	p0 =	por $0x0, $0x0;
	[sflag:s20] =	ssyncset.done $0x0  }
0x115: {  	s23 =	simm.s32 $0x3030;
	s24 =	simm.s32 $0x0;
	[sflag:s20] =	ssyncadd.s32 $0xFFFFF000  }
.LBB2_30:
0x116: {  	s25 =	sand.u32 $0xFC0, s24  }
0x117: {  	v0 =	vld [tilespmem:s25+$0x3000];
	_ =	sdelay $0x4  }
0x118: {  	v0 =	vadd.s32 $0x1, v0;
	_ =	sdelay $0x4  }
0x119: {  	s25 =	simm.s32 $0x1;
	v0 =	vld.idx.msk [tilespmem:v0+s17+$0x0], $0xffff  }
0x11a: {  	s25 =	simm.s32 @!p0 $0x0  }
0x11b: {  	s25 =	sshll.u32 s25, $0x6  }
0x11c: {  	s25 =	sadd.s32 s25, s22  }
0x11d: {  	s26 =	sor.u32 $0x80, s25  }
0x11e: {  	[tilespmem:s26+$0x1C700] =	vst v0  }
0x11f: {  	v0 =	vld [tilespmem:s23+$0xFFFFFFE0];
	_ =	sdelay $0x4  }
0x120: {  	v0 =	vadd.s32 $0x1, v0;
	_ =	sdelay $0x4  }
0x121: {  	v0 =	vld.idx.msk [tilespmem:v0+s17+$0x0], $0xffff;
	_ =	sdelay $0x3  }
0x122: {  	s30 =	sor.u32 $0x90, s25  }
0x123: {  	[tilespmem:s30+$0x1C700] =	vst v0  }
0x124: {  	v0 =	vld [tilespmem:s23+$0xFFFFFFF0];
	_ =	sdelay $0x4  }
0x125: {  	v0 =	vadd.s32 $0x1, v0;
	_ =	sdelay $0x4  }
0x126: {  	v0 =	vld.idx.msk [tilespmem:v0+s17+$0x0], $0xffff;
	_ =	sdelay $0x3  }
0x127: {  	s31 =	sor.u32 $0xA0, s25  }
0x128: {  	[tilespmem:s31+$0x1C700] =	vst v0  }
0x129: {  	v0 =	vld [tilespmem:s23+$0x0];
	_ =	sdelay $0x4  }
0x12a: {  	v0 =	vadd.s32 $0x1, v0;
	_ =	sdelay $0x4  }
0x12b: {  	p1 =	sne.s32 s24, $0xFC0;
	v0 =	vld.idx.msk [tilespmem:v0+s17+$0x0], $0xffff  }
.Ltmp14:
0x12c: {  	_ = 	snop;
	(pc) =	sbr.rel @p1 .LBB2_30-.Ltmp14, $3  }
0x12d: {  	_ =	sdelay $0x1  }
0x12e: {  	s24 =	sadd.s32 $0x40, s24;
	s25 =	sor.u32 $0xB0, s25  }
0x12f: {  	p0 =	por !p0, !p0;
	s22 =	sadd.s32 $0x80, s22;
	s23 =	sadd.s32 $0x40, s23;
	[tilespmem:s25+$0x1C700] =	vst v0  }
0x130: {  	s22 =	simm.s32 $0x1C780  }
0x131: {  	s23 =	simm.s32 $0x80;
	s25 =	sadd.s32 $0x0, s13;
	s24 =	simm.s32 $0x1C880  }
.LBB2_32:
0x132: {  	[hbm4b:s25+s3] =	stream.linear.scatter [tilespmem:s22], [sflag:$0x3], $0x80, $0x38;
	[tilespmem:$0x1E700] =	vst v63  }
0x133: {  	s25 =	smov.u32 s23;
	s22 =	smov.u32 s24;
	p0 =	sne.s32 s23, $0xF80  }
.Ltmp15:
0x134: {  	s23 =	sadd.s32 $0x80, s23;
	(pc) =	sbr.rel @p0 .LBB2_32-.Ltmp15, $2  }
0x135: {  	_ =	sdelay $0x2  }
0x136: {  	s24 =	sadd.s32 $0x100, s24;
	s25 =	sadd.s32 s25, s13  }
0x137: {  	[hbm4b:s25+s3] =	stream.linear.scatter [tilespmem:s22], [sflag:$0x3], $0x80, $0x38;
	[tilespmem:$0x1E700] =	vst v63  }
0x138: {  	s21 =	sadd.s32 $0x1, s21  }
0x139: {  	_ =	swait.ge [sflag:s20], $0x1000;
	p0 =	sne.s32 s21, s14  }
.Ltmp16:
0x13a: {  	[sflag:s20] =	ssyncset.done $0x0;
	(pc) =	sbr.rel @p0 .LBB2_1-.Ltmp16, $4  }
0x13b: {  	[sflag:s20] =	ssyncadd.s32 $0xFFFFF000  }
0x13c: {  	_ =	swait.ge [sflag:s20], $0x1000  }
0x13d: {  	[sflag:s20] =	ssyncset.done $0x0  }
0x13e: {  	[sflag:s20] =	ssyncadd.s32 $0xFFFFF000  }
0x13f: {  	_ =	sfence.sel $0x180000  }
0x140: {  	[bflag:$0x0] =	sbarrier.arrive $0xFFFF  }
0x141: {  	p0 =	sne.s32 s2, $0x0;
	_ =	strace $0x90000047  }
0x142: {  	s0 =	sadd.s32 @!p0 $0x100000, s0;
	[bflag:$0x2] =	sbarrier.arrive $0xFFFF  }
0x143: {  	[sflag:s0] =	ssyncadd.tile.s32 @!p0 $0x1;
	_ =	shalt  }
.Lfunc_end2:
_tile_overlayer_lowered:
.L_overlay_start_2:
0x144: {  	(tag) =	ssettag $0x2  }
0x145: {  	s0 =	rddreg [dreg:$0x0];
	s2 =	stileid.u32  }
0x146: {  	s1 =	rddreg [dreg:$0x1];
	p0 =	sne.s32 s2, $0x0  }
0x147: {  	s3 =	rddreg [dreg:$0x2];
	[bflag:$0x3] =	sbarrier.arrive $0xFFFF;
	s2 =	simm.s32 @!p0 $0x1C04  }
0x148: {  	[timem:s3], [sflag:s2] =	dma.local @!p0 [hbm:s0], s1  }
0x149: {  	s0 =	simm.s32 @!p0 $0x4  }
0x14a: {  	_ =	swait.ge @!p0 [sflag:s0], s1  }
0x14b: {  	s1 =	ssub.s32 @!p0 $0x0, s1;
	[sflag:s0] =	ssyncset.done @!p0 $0x0  }
0x14c: {  	[sflag:s0] =	ssyncadd.s32 @!p0 s1  }
0x14d: {  	[bflag:$0x3] =	sbarrier.arrive $0xFFFF  }
0x14e: {  	_ =	shalt  }

</sc_bundles>
